<compile_context>
chip_gen: v7x
topology: tpu7x:2x2x1
jax: 0.10.2.dev20260603
libtpu: 0.0.44.dev20260713+nightly
codegen_flags: <defaults>
</compile_context>

<pallas_src>
import functools

import jax
import jax.numpy as jnp
from jax import lax
from jax.experimental import pallas as pl
from jax.experimental.pallas import tpu as pltpu
from jax.experimental.pallas import tpu_sc as plsc

BIG = 2**30



def _tc_body(n_nodes, n_samples, s_pad, x_ref, px_ref, py_ref, pz_ref,
             posr_ref, iflatf_ref, wt_ref, b_ref, gamma_ref, beta_ref,
             h_ref, idx_ref):
    h_lin = jnp.dot(x_ref[...], wt_ref[...],
                    preferred_element_type=jnp.float32) + b_ref[...]
    mean = jnp.sum(h_lin, axis=0, keepdims=True) / float(n_nodes)
    cen = h_lin - mean
    var = jnp.sum(cen * cen, axis=0, keepdims=True) / float(n_nodes)
    h = cen / jnp.sqrt(var + 1e-5) * gamma_ref[...] + beta_ref[...]
    h_ref[...] = jnp.maximum(h, 0.0)

    idx_ref[...] = jnp.zeros((s_pad, 1), jnp.int32)
    px = px_ref[...]
    py = py_ref[...]
    pz = pz_ref[...]
    valid = iflatf_ref[...] < float(n_nodes)

    q0x = posr_ref[0]
    q0y = posr_ref[1]
    q0z = posr_ref[2]
    dx = px - q0x
    dy = py - q0y
    dz = pz - q0z
    dist0 = (dx * dx + dy * dy) + dz * dz
    dist0 = jnp.where(valid, dist0, -1.0)

    def fps_body(it, dist):
        m = jnp.max(dist, axis=(0, 1), keepdims=True)
        flatf = jnp.min(jnp.where(dist == m, iflatf_ref[...], 3e9))
        flat = flatf.astype(jnp.int32)
        idx_ref[pl.ds(it, 1), :] = jnp.reshape(flat, (1, 1))
        f3 = flat * 3
        qx = posr_ref[f3]
        qy = posr_ref[f3 + 1]
        qz = posr_ref[f3 + 2]
        ddx = px_ref[...] - qx
        ddy = py_ref[...] - qy
        ddz = pz_ref[...] - qz
        d = (ddx * ddx + ddy * ddy) + ddz * ddz
        return jnp.minimum(dist, d)

    lax.fori_loop(1, n_samples, fps_body, dist0)


def _tc_stage(x, pos, wt, b, gamma, beta, n_samples, s_pad):
    n, d = x.shape
    nrow = (n + 127) // 128
    npad = nrow * 128
    pos_t = jnp.transpose(pos)
    pos_t = jnp.pad(pos_t, ((0, 0), (0, npad - n)),
                    constant_values=1e9).reshape(3, nrow, 128)
    iflatf = jnp.arange(npad, dtype=jnp.float32).reshape(nrow, 128)
    body = functools.partial(_tc_body, n, n_samples, s_pad)
    vspec = pl.BlockSpec(memory_space=pltpu.VMEM)
    return pl.pallas_call(
        body,
        in_specs=[vspec, vspec, vspec, vspec,
                  pl.BlockSpec(memory_space=pltpu.SMEM),
                  vspec, vspec, vspec, vspec, vspec],
        out_shape=[jax.ShapeDtypeStruct((n, d), jnp.float32),
                   jax.ShapeDtypeStruct((s_pad, 1), jnp.int32)],
    )(x, pos_t[0], pos_t[1], pos_t[2], pos.reshape(-1), iflatf, wt,
      b.reshape(1, d), gamma.reshape(1, d), beta.reshape(1, d))



_NS = 16
_RPW = 320
_SPAD = _NS * _RPW
_CE = 3200
_GB = 64


def _sc_body(n_nodes, n_pad, n_samples, s_pad, d, e_half,
             h_hbm, idx_hbm, src_hbm, dst_hbm, pos4_hbm,
             outh0_hbm, outh1_hbm, outp_hbm,
             rank_ts, idxst_ts, idx_ts, acc_ts, dstbuf, srcbuf,
             msrc, mrank, rows_ts, rowpb_ts, posout_ts,
             sem):
    core = lax.axis_index("c")
    wid = lax.axis_index("s")
    lo = wid * _RPW
    hi = lo + _RPW
    ebase = core * e_half
    dseg = d // 16
    ones16 = jnp.ones((16,), jnp.int32)
    zeros16 = jnp.zeros((16,), jnp.int32)
    lane = lax.iota(jnp.int32, 16)

    def zero_mask(i, c):
        rank_ts[pl.ds(i * 16, 16)] = zeros16
        return c

    lax.fori_loop(0, n_pad // 16, zero_mask, 0)
    pltpu.sync_copy(idx_hbm, idxst_ts)

    def scatter_mask(i, c):
        v = idxst_ts[pl.ds(i * 16, 16)]
        m = (i * 16 + lane) < n_samples
        plsc.store_scatter(rank_ts, [v], ones16, mask=m)
        return c

    lax.fori_loop(0, s_pad // 16, scatter_mask, 0)

    def rank_vec(i, carry):
        mv = rank_ts[pl.ds(i * 16, 16)]
        incl = plsc.cumsum(mv) + carry
        rank_ts[pl.ds(i * 16, 16)] = jnp.where(mv > 0, incl - 1, BIG)
        return carry + jnp.sum(mv)

    lax.fori_loop(0, n_pad // 16, rank_vec, jnp.int32(0))

    def zero_idx(i, c):
        idx_ts[pl.ds(i * 16, 16)] = zeros16
        return c

    lax.fori_loop(0, _RPW // 16, zero_idx, 0)

    def scan_ids(i, c):
        rv = rank_ts[pl.ds(i * 16, 16)]
        ids = jnp.full((16,), i * 16, jnp.int32) + lane
        m = (rv >= lo) & (rv < hi)
        plsc.store_scatter(idx_ts, [rv - lo], ids, mask=m)
        return c

    lax.fori_loop(0, n_pad // 16, scan_ids, 0)

    for g in range(_RPW // 80):
        pltpu.async_copy(h_hbm.at[idx_ts.at[pl.ds(g * 80, 80)]],
                         acc_ts.at[pl.ds(g * 80, 80)], sem).wait()

    def zero_msrc(i, c):
        msrc[pl.ds(i * 16, 16)] = zeros16
        return c

    lax.fori_loop(0, _CE // 16, zero_msrc, 0)

    def chunk_body(ch, carry):
        base_e = ebase + ch * _CE
        pltpu.sync_copy(dst_hbm.at[pl.ds(base_e, _CE)], dstbuf)
        pltpu.sync_copy(src_hbm.at[pl.ds(base_e, _CE)], srcbuf)

        def scan_vec(i, p):
            for u in range(4):
                off = i * 64 + u * 16
                dstv = dstbuf[pl.ds(off, 16)]
                rv = plsc.load_gather(rank_ts, [dstv])
                m = (rv >= lo) & (rv < hi)
                srcv = srcbuf[pl.ds(off, 16)]
                cnt = plsc.all_reduce_population_count(m)[0]
                plsc.store_compressed(msrc.at[pl.ds(p, 16)], srcv, mask=m)
                plsc.store_compressed(mrank.at[pl.ds(p, 16)], rv, mask=m)
                p = p + cnt
            return p

        p = lax.fori_loop(0, _CE // 64, scan_vec, jnp.int32(0))

        def batch_cond(bi):
            return bi * _GB < p

        def batch_body(bi):
            gbase = bi * _GB
            pltpu.async_copy(h_hbm.at[msrc.at[pl.ds(gbase, _GB)]],
                             rows_ts, sem).wait()
            nvalid = jnp.minimum(_GB, p - gbase)

            def row_body(e, c):
                lr = mrank[pl.ds(gbase + e, 16)][0] - lo
                new = [rows_ts[e, pl.ds(j * 16, 16)] for j in range(dseg)]
                cur = [acc_ts[lr, pl.ds(j * 16, 16)] for j in range(dseg)]
                for j in range(dseg):
                    acc_ts[lr, pl.ds(j * 16, 16)] = jnp.maximum(cur[j], new[j])
                return c

            lax.fori_loop(0, nvalid, row_body, 0)
            return bi + 1

        lax.while_loop(batch_cond, batch_body, jnp.int32(0))
        return carry

    lax.fori_loop(0, e_half // _CE, chunk_body, 0)

    @pl.when(core == 0)
    def _():
        for g in range(_RPW // 80):
            pltpu.async_copy(pos4_hbm.at[idx_ts.at[pl.ds(g * 80, 80)]],
                             rowpb_ts, sem).wait()

            def pb_row(r, c):
                posout_ts[pl.ds((g * 80 + r) * 16, 16)] = \
                    rowpb_ts[r, pl.ds(0, 16)]
                return c

            lax.fori_loop(0, 80, pb_row, 0)
        pltpu.sync_copy(posout_ts, outp_hbm.at[pl.ds(lo * 16, _RPW * 16)])
        pltpu.sync_copy(acc_ts, outh0_hbm.at[pl.ds(lo, _RPW)])

    @pl.when(core == 1)
    def _():
        pltpu.sync_copy(acc_ts, outh1_hbm.at[pl.ds(lo, _RPW)])


def _sc_stage(h, idx_flat, src, dst, pos, batch, n_samples, n_pad):
    n, d = h.shape
    e = src.shape[0]
    mesh = plsc.VectorSubcoreMesh(core_axis_name="c", subcore_axis_name="s",
                                  num_cores=2, num_subcores=16)
    body = functools.partial(_sc_body, n, n_pad, n_samples, _SPAD, d, e // 2)
    kern = pl.kernel(
        body,
        out_type=[jax.ShapeDtypeStruct((_SPAD, d), jnp.float32),
                  jax.ShapeDtypeStruct((_SPAD, d), jnp.float32),
                  jax.ShapeDtypeStruct((_SPAD * 16,), jnp.float32)],
        mesh=mesh,
        compiler_params=pltpu.CompilerParams(needs_layout_passes=False),
        scratch_types=[
            pltpu.VMEM((n_pad,), jnp.int32),
            pltpu.VMEM((_SPAD,), jnp.int32),
            pltpu.VMEM((_RPW,), jnp.int32),
            pltpu.VMEM((_RPW, d), jnp.float32),
            pltpu.VMEM((_CE,), jnp.int32),
            pltpu.VMEM((_CE,), jnp.int32),
            pltpu.VMEM((_CE + 16,), jnp.int32),
            pltpu.VMEM((_CE + 16,), jnp.int32),
            pltpu.VMEM((_GB, d), jnp.float32),
            pltpu.VMEM((80, 128), jnp.float32),
            pltpu.VMEM((_RPW * 16,), jnp.float32),
            pltpu.SemaphoreType.DMA,
        ],
    )
    pos4 = jnp.concatenate(
        [pos, lax.bitcast_convert_type(batch, jnp.float32)[:, None]], axis=1)
    pos4 = jnp.pad(pos4, ((0, 0), (0, 124)))
    return kern(h, idx_flat, src, dst, pos4)


def _merge_body(a_ref, b_ref, o_ref):
    o_ref[...] = jnp.maximum(a_ref[...], b_ref[...])


def _merge_stage(a, b):
    return pl.pallas_call(
        _merge_body,
        out_shape=jax.ShapeDtypeStruct(a.shape, a.dtype),
    )(a, b)



def kernel(x, pos, edge_index, batch, W, b, gamma, beta):
    n = x.shape[0]
    n_samples = n // 2
    n_pad = ((n + 127) // 128) * 128
    h, idx2d = _tc_stage(x, pos, jnp.transpose(W), b, gamma, beta,
                         n_samples, _SPAD)
    outh0, outh1, outpb = _sc_stage(h, idx2d.reshape(-1), edge_index[0],
                                    edge_index[1], pos, batch,
                                    n_samples, n_pad)
    outh = _merge_stage(outh0, outh1)
    pb = outpb.reshape(_SPAD, 16)
    return (outh[:n_samples],
            pb[:n_samples, :3],
            lax.bitcast_convert_type(pb[:n_samples, 3], jnp.int32))

# --- scband reference (transcript-rebuilt; emitter-appended) ---
"""Pipeline reference for scband-point-trans-layer-down-90108413870726 (READ-ONLY COPY).

The authoritative reference and input builder live on the scoring server;
editing this copy changes nothing except your own understanding.
"""

import jax, jax.numpy as jnp
import numpy as np


def fps_indices(pos, n_samples):
    # Deterministic farthest point sampling starting at node 0 (PyG fps uses a
    # random start; indices carry no gradient in either framework).
    N = pos.shape[0]
    dist = jnp.sum((pos - pos[0]) ** 2, axis=1)
    idxs = jnp.zeros((n_samples,), jnp.int32)

    def body(i, carry):
        dist, idxs = carry
        nxt = jnp.argmax(dist).astype(jnp.int32)
        idxs = idxs.at[i].set(nxt)
        d = jnp.sum((pos - pos[nxt]) ** 2, axis=1)
        dist = jnp.minimum(dist, d)
        return (dist, idxs)

    dist, idxs = jax.lax.fori_loop(1, n_samples, body, (dist, idxs))
    return idxs


def setup_inputs(seed: int = 0) -> dict:
    key = jax.random.key(seed)
    k1, k2, k3, k4 = jax.random.split(key, 4)
    N, E, d = 10000, 320000, 128
    x = jax.random.normal(k1, (N, d), dtype=jnp.float32)
    pos = jax.random.normal(k2, (N, 3), dtype=jnp.float32)
    edge_index = jax.random.randint(k3, (2, E), 0, N, dtype=jnp.int32)
    batch = jnp.zeros((N,), dtype=jnp.int32)  # single graph
    W = jax.random.normal(k4, (d, d), dtype=jnp.float32) * 0.05
    b = jnp.zeros((d,), dtype=jnp.float32)
    gamma = jnp.ones((d,), dtype=jnp.float32)
    beta = jnp.zeros((d,), dtype=jnp.float32)
    return {"x": x, "pos": pos, "edge_index": edge_index, "batch": batch,
            "W": W, "b": b, "gamma": gamma, "beta": beta}


def reference(x, pos, edge_index, batch, W, b, gamma, beta):
    N = x.shape[0]
    perc_down = 0.5
    # self.down: Linear -> BatchNorm1d (training-mode batch stats) -> ReLU
    h = x @ W.T + b
    mean = jnp.mean(h, axis=0)
    var = jnp.var(h, axis=0)
    h = (h - mean) / jnp.sqrt(var + 1e-5) * gamma + beta
    h = jax.nn.relu(h)
    # fps indices, sorted (index.sort().values)
    n_samples = int(round(perc_down * N))
    idx = jnp.sort(fps_indices(pos, n_samples))
    # max_pool_neighbor_x: add self loops, scatter-max neighbor features
    ar = jnp.arange(N, dtype=edge_index.dtype)
    src = jnp.concatenate([edge_index[0], ar])
    dst = jnp.concatenate([edge_index[1], ar])
    h_pool = jax.ops.segment_max(h[src], dst, num_segments=N)
    # subset to sampled points
    return h_pool[idx], pos[idx], batch[idx]

if __name__ == "__main__":
    import jax
    _d = setup_inputs()
    print(jax.jit(kernel)(*tuple(_d.values())))

</pallas_src>

<mosaic_0001>
#map = affine_map<(d0, d1) -> (0, 0)>
#map1 = affine_map<(d0, d1) -> (0)>
module attributes {stable_mosaic.version = 14 : i64} {
  func.func @_sc_body(%arg0: i32, %arg1: i32, %arg2: memref<10000x128xf32, #tpu.memory_space<hbm>>, %arg3: memref<5120xi32, #tpu.memory_space<hbm>>, %arg4: memref<320000xi32, #tpu.memory_space<hbm>>, %arg5: memref<320000xi32, #tpu.memory_space<hbm>>, %arg6: memref<10000x128xf32, #tpu.memory_space<hbm>>, %arg7: memref<5120x128xf32, #tpu.memory_space<hbm>>, %arg8: memref<5120x128xf32, #tpu.memory_space<hbm>>, %arg9: memref<81920xf32, #tpu.memory_space<hbm>>, %arg10: memref<10112xi32, #tpu.memory_space<vmem>>, %arg11: memref<5120xi32, #tpu.memory_space<vmem>>, %arg12: memref<320xi32, #tpu.memory_space<vmem>>, %arg13: memref<320x128xf32, #tpu.memory_space<vmem>>, %arg14: memref<3200xi32, #tpu.memory_space<vmem>>, %arg15: memref<3200xi32, #tpu.memory_space<vmem>>, %arg16: memref<3216xi32, #tpu.memory_space<vmem>>, %arg17: memref<3216xi32, #tpu.memory_space<vmem>>, %arg18: memref<64x128xf32, #tpu.memory_space<vmem>>, %arg19: memref<80x128xf32, #tpu.memory_space<vmem>>, %arg20: memref<5120xf32, #tpu.memory_space<vmem>>, %arg21: memref<!tpu.dma_semaphore, #tpu.memory_space<semaphore_mem>>) attributes {dimension_semantics = [#tpu.dimension_semantics<core_parallel>, #tpu.dimension_semantics<subcore_parallel>], iteration_bounds = array<i64: 2, 16>, scalar_prefetch = 0 : i64, scratch_operands = 12 : i64, tpu.core_type = #tpu.core_type<sc_vector_subcore>, window_params = [{transform_indices = #map}, {transform_indices = #map1}, {transform_indices = #map1}, {transform_indices = #map1}, {transform_indices = #map}, {transform_indices = #map}, {transform_indices = #map}, {transform_indices = #map1}]} {
    %mul3A = arith.constant 320 : i32
    %mul3A_0 = arith.muli %arg1, %mul3A : i32
    %add3A = arith.constant 320 : i32
    %add3A_1 = arith.addi %mul3A_0, %add3A : i32
    %mul3A_2 = arith.constant 160000 : i32
    %mul3A_3 = arith.muli %arg0, %mul3A_2 : i32
    %broadcast_in_dim3A = arith.constant 1 : i32
    %broadcast_in_dim3A_4 = vector.broadcast %broadcast_in_dim3A : i32 to vector<16xi32>
    %broadcast_in_dim3A_5 = arith.constant 0 : i32
    %broadcast_in_dim3A_6 = vector.broadcast %broadcast_in_dim3A_5 : i32 to vector<16xi32>
    %iota3A = tpu.iota {dimensions = array<i32: 0>} : vector<16xi32>
    %scan3A = arith.constant 0 : i32
    %scan3A_7 = arith.constant 0 : i32
    %scan3A_8 = arith.constant 632 : i32
    %scan3A_9 = arith.addi %scan3A_7, %scan3A_8 : i32
    %scan3A_10 = arith.constant 1 : i32
    scf.for %scan3A_118 = %scan3A_7 to %scan3A_9 step %scan3A_10  : i32 {
      %mul3A_119 = arith.constant 16 : i32
      %mul3A_120 = arith.muli %scan3A_118, %mul3A_119 : i32
      %swap3A = arith.index_cast %mul3A_120 : i32 to index
      %swap3A_121 = tpu.vector_load %arg10[%swap3A] {strides = array<i32>} : memref<10112xi32, #tpu.memory_space<vmem>>, vector<16xi32>,
      tpu.vector_store %arg10[%swap3A], %broadcast_in_dim3A_6 {strides = array<i32>} : memref<10112xi32, #tpu.memory_space<vmem>>, vector<16xi32>,
    }
    %scan3A_11 = arith.constant 632 : i32
    "tpu.region"() ({
      %run_scoped3A = tpu.sem_alloc : memref<!tpu.dma_semaphore, #tpu.memory_space<semaphore_mem>>
      tpu.enqueue_dma source(%arg3 : memref<5120xi32, #tpu.memory_space<hbm>>) target(%arg11 : memref<5120xi32, #tpu.memory_space<vmem>>) target_semaphore(%run_scoped3A : memref<!tpu.dma_semaphore, #tpu.memory_space<semaphore_mem>>)
      tpu.wait_dma2 semaphore(%run_scoped3A : memref<!tpu.dma_semaphore, #tpu.memory_space<semaphore_mem>>) src(%arg3 : memref<5120xi32, #tpu.memory_space<hbm>>) dst(%arg11 : memref<5120xi32, #tpu.memory_space<vmem>>)
      tpu.yield
    }) : () -> ()
    %scan3A_12 = arith.constant 0 : i32
    %scan3A_13 = arith.constant 0 : i32
    %scan3A_14 = arith.constant 320 : i32
    %scan3A_15 = arith.addi %scan3A_13, %scan3A_14 : i32
    %scan3A_16 = arith.constant 1 : i32
    scf.for %scan3A_118 = %scan3A_13 to %scan3A_15 step %scan3A_16  : i32 {
      %mul3A_119 = arith.constant 16 : i32
      %mul3A_120 = arith.muli %scan3A_118, %mul3A_119 : i32
      %get3A = arith.index_cast %mul3A_120 : i32 to index
      %get3A_121 = tpu.vector_load %arg11[%get3A] {strides = array<i32>} : memref<5120xi32, #tpu.memory_space<vmem>>, vector<16xi32>,
      %mul3A_122 = arith.constant 16 : i32
      %mul3A_123 = arith.muli %scan3A_118, %mul3A_122 : i32
      %add3A_124 = vector.broadcast %mul3A_123 : i32 to vector<16xi32>
      %add3A_125 = arith.addi %add3A_124, %iota3A : vector<16xi32>
      %lt3A = arith.constant 5000 : i32
      %lt3A_126 = vector.broadcast %lt3A : i32 to vector<16xi32>
      %lt3A_127 = arith.cmpi slt, %add3A_125, %lt3A_126 : vector<16xi32>
      tpu.vector_store_idx %arg10[%get3A_121], %broadcast_in_dim3A_4 masked %lt3A_127 : memref<10112xi32, #tpu.memory_space<vmem>>[vector<16xi32>], vector<16xi32>, vector<16xi1>
    }
    %scan3A_17 = arith.constant 320 : i32
    %scan3A_18 = arith.constant 0 : i32
    %scan3A_19 = arith.constant 0 : i32
    %scan3A_20 = arith.constant 632 : i32
    %scan3A_21 = arith.addi %scan3A_19, %scan3A_20 : i32
    %scan3A_22 = arith.constant 1 : i32
    %scan3A_23 = scf.for %scan3A_118 = %scan3A_19 to %scan3A_21 step %scan3A_22 iter_args(%scan3A_119 = %scan3A_18) -> (i32)  : i32 {
      %mul3A_120 = arith.constant 16 : i32
      %mul3A_121 = arith.muli %scan3A_118, %mul3A_120 : i32
      %get3A = arith.index_cast %mul3A_121 : i32 to index
      %get3A_122 = tpu.vector_load %arg10[%get3A] {strides = array<i32>} : memref<10112xi32, #tpu.memory_space<vmem>>, vector<16xi32>,
      %broadcast_in_dim3A_123 = arith.constant true
      %broadcast_in_dim3A_124 = vector.broadcast %broadcast_in_dim3A_123 : i1 to vector<16xi1>
      %masked_cumsum3A = tpu.scan <sum>, %get3A_122 masked %broadcast_in_dim3A_124 : vector<16xi32>, vector<16xi1> -> vector<16xi32>
      %add3A_125 = vector.broadcast %scan3A_119 : i32 to vector<16xi32>
      %add3A_126 = arith.addi %masked_cumsum3A, %add3A_125 : vector<16xi32>
      %gt3A = arith.constant 0 : i32
      %gt3A_127 = vector.broadcast %gt3A : i32 to vector<16xi32>
      %gt3A_128 = arith.cmpi sgt, %get3A_122, %gt3A_127 : vector<16xi32>
      %sub3A = arith.constant 1 : i32
      %sub3A_129 = vector.broadcast %sub3A : i32 to vector<16xi32>
      %sub3A_130 = arith.subi %add3A_126, %sub3A_129 : vector<16xi32>
      %jit3A = arith.constant 1073741824 : i32
      %broadcast_in_dim3A_131 = vector.broadcast %jit3A : i32 to vector<16xi32>
      %select_n3A = arith.select %gt3A_128, %sub3A_130, %broadcast_in_dim3A_131 : vector<16xi1>, vector<16xi32>
      %mul3A_132 = arith.constant 16 : i32
      %mul3A_133 = arith.muli %scan3A_118, %mul3A_132 : i32
      %swap3A = arith.index_cast %mul3A_133 : i32 to index
      %swap3A_134 = tpu.vector_load %arg10[%swap3A] {strides = array<i32>} : memref<10112xi32, #tpu.memory_space<vmem>>, vector<16xi32>,
      tpu.vector_store %arg10[%swap3A], %select_n3A {strides = array<i32>} : memref<10112xi32, #tpu.memory_space<vmem>>, vector<16xi32>,
      %reduce_sum3A = arith.constant true
      %reduce_sum3A_135 = vector.broadcast %reduce_sum3A : i1 to vector<16xi1>
      %reduce_sum3A_136 = tpu.scan <sum>, %get3A_122 masked %reduce_sum3A_135 : vector<16xi32>, vector<16xi1> -> vector<16xi32>
      %reduce_sum3A_137 = vector.extract %reduce_sum3A_136[15] : i32 from vector<16xi32>
      %add3A_138 = arith.addi %scan3A_119, %reduce_sum3A_137 : i32
      scf.yield %add3A_138 : i32
    }
    %scan3A_24 = arith.constant 632 : i32
    %scan3A_25 = arith.constant 0 : i32
    %scan3A_26 = arith.constant 0 : i32
    %scan3A_27 = arith.constant 20 : i32
    %scan3A_28 = arith.addi %scan3A_26, %scan3A_27 : i32
    %scan3A_29 = arith.constant 1 : i32
    scf.for %scan3A_118 = %scan3A_26 to %scan3A_28 step %scan3A_29  : i32 {
      %mul3A_119 = arith.constant 16 : i32
      %mul3A_120 = arith.muli %scan3A_118, %mul3A_119 : i32
      %swap3A = arith.index_cast %mul3A_120 : i32 to index
      %swap3A_121 = tpu.vector_load %arg12[%swap3A] {strides = array<i32>} : memref<320xi32, #tpu.memory_space<vmem>>, vector<16xi32>,
      tpu.vector_store %arg12[%swap3A], %broadcast_in_dim3A_6 {strides = array<i32>} : memref<320xi32, #tpu.memory_space<vmem>>, vector<16xi32>,
    }
    %scan3A_30 = arith.constant 20 : i32
    %scan3A_31 = arith.constant 0 : i32
    %scan3A_32 = arith.constant 0 : i32
    %scan3A_33 = arith.constant 632 : i32
    %scan3A_34 = arith.addi %scan3A_32, %scan3A_33 : i32
    %scan3A_35 = arith.constant 1 : i32
    scf.for %scan3A_118 = %scan3A_32 to %scan3A_34 step %scan3A_35  : i32 {
      %mul3A_119 = arith.constant 16 : i32
      %mul3A_120 = arith.muli %scan3A_118, %mul3A_119 : i32
      %get3A = arith.index_cast %mul3A_120 : i32 to index
      %get3A_121 = tpu.vector_load %arg10[%get3A] {strides = array<i32>} : memref<10112xi32, #tpu.memory_space<vmem>>, vector<16xi32>,
      %mul3A_122 = arith.constant 16 : i32
      %mul3A_123 = arith.muli %scan3A_118, %mul3A_122 : i32
      %broadcast_in_dim3A_124 = vector.broadcast %mul3A_123 : i32 to vector<16xi32>
      %add3A_125 = arith.addi %broadcast_in_dim3A_124, %iota3A : vector<16xi32>
      %ge3A = vector.broadcast %mul3A_0 : i32 to vector<16xi32>
      %ge3A_126 = arith.cmpi sge, %get3A_121, %ge3A : vector<16xi32>
      %lt3A = vector.broadcast %add3A_1 : i32 to vector<16xi32>
      %lt3A_127 = arith.cmpi slt, %get3A_121, %lt3A : vector<16xi32>
      %and3A = arith.andi %ge3A_126, %lt3A_127 : vector<16xi1>
      %sub3A = vector.broadcast %mul3A_0 : i32 to vector<16xi32>
      %sub3A_128 = arith.subi %get3A_121, %sub3A : vector<16xi32>
      tpu.vector_store_idx %arg12[%sub3A_128], %add3A_125 masked %and3A : memref<320xi32, #tpu.memory_space<vmem>>[vector<16xi32>], vector<16xi32>, vector<16xi1>
    }
    %scan3A_36 = arith.constant 632 : i32
    %dma_start3A = arith.constant 0 : i32
    %dma_start3A_37 = arith.constant 0 : i32
    %dma_start3A_38 = tpu.memref_slice %arg13[%dma_start3A, %dma_start3A_37] : memref<320x128xf32, #tpu.memory_space<vmem>> -> memref<80x128xf32, #tpu.memory_space<vmem>>
    %dma_start3A_39 = arith.constant 0 : i32
    %dma_start3A_40 = tpu.memref_slice %arg12[%dma_start3A_39] : memref<320xi32, #tpu.memory_space<vmem>> -> memref<80xi32, #tpu.memory_space<vmem>>
    %dma_start3A_41 = arith.constant 0 : i32
    %dma_start3A_42 = arith.constant 0 : i32
    %dma_start3A_43 = tpu.memref_slice %arg2[%dma_start3A_41, %dma_start3A_42] : memref<10000x128xf32, #tpu.memory_space<hbm>> -> memref<10000x128xf32, #tpu.memory_space<hbm>>
    tpu.enqueue_indirect_dma source(%dma_start3A_43 : memref<10000x128xf32, #tpu.memory_space<hbm>>) target(%dma_start3A_38 : memref<80x128xf32, #tpu.memory_space<vmem>>) offsets(%dma_start3A_40 : memref<80xi32, #tpu.memory_space<vmem>>) semaphore(%arg21 : memref<!tpu.dma_semaphore, #tpu.memory_space<semaphore_mem>>)
    %dma_wait3A = arith.constant 0 : i32
    %dma_wait3A_44 = arith.constant 0 : i32
    %dma_wait3A_45 = tpu.memref_slice %arg13[%dma_wait3A, %dma_wait3A_44] : memref<320x128xf32, #tpu.memory_space<vmem>> -> memref<80x128xf32, #tpu.memory_space<vmem>>
    %dma_wait3A_46 = arith.constant 0 : i32
    %dma_wait3A_47 = tpu.memref_slice %arg12[%dma_wait3A_46] : memref<320xi32, #tpu.memory_space<vmem>> -> memref<80xi32, #tpu.memory_space<vmem>>
    %dma_wait3A_48 = arith.constant 0 : i32
    %dma_wait3A_49 = arith.constant 0 : i32
    %dma_wait3A_50 = tpu.memref_slice %arg2[%dma_wait3A_48, %dma_wait3A_49] : memref<10000x128xf32, #tpu.memory_space<hbm>> -> memref<10000x128xf32, #tpu.memory_space<hbm>>
    tpu.wait_indirect_dma semaphore(%arg21 : memref<!tpu.dma_semaphore, #tpu.memory_space<semaphore_mem>>) src(%dma_wait3A_50 : memref<10000x128xf32, #tpu.memory_space<hbm>>) dst(%dma_wait3A_45 : memref<80x128xf32, #tpu.memory_space<vmem>>)
    %dma_start3A_51 = arith.constant 80 : i32
    %dma_start3A_52 = arith.constant 0 : i32
    %dma_start3A_53 = tpu.memref_slice %arg13[%dma_start3A_51, %dma_start3A_52] : memref<320x128xf32, #tpu.memory_space<vmem>> -> memref<80x128xf32, #tpu.memory_space<vmem>>
    %dma_start3A_54 = arith.constant 80 : i32
    %dma_start3A_55 = tpu.memref_slice %arg12[%dma_start3A_54] : memref<320xi32, #tpu.memory_space<vmem>> -> memref<80xi32, #tpu.memory_space<vmem>>
    %dma_start3A_56 = arith.constant 0 : i32
    %dma_start3A_57 = arith.constant 0 : i32
    %dma_start3A_58 = tpu.memref_slice %arg2[%dma_start3A_56, %dma_start3A_57] : memref<10000x128xf32, #tpu.memory_space<hbm>> -> memref<10000x128xf32, #tpu.memory_space<hbm>>
    tpu.enqueue_indirect_dma source(%dma_start3A_58 : memref<10000x128xf32, #tpu.memory_space<hbm>>) target(%dma_start3A_53 : memref<80x128xf32, #tpu.memory_space<vmem>>) offsets(%dma_start3A_55 : memref<80xi32, #tpu.memory_space<vmem>>) semaphore(%arg21 : memref<!tpu.dma_semaphore, #tpu.memory_space<semaphore_mem>>)
    %dma_wait3A_59 = arith.constant 80 : i32
    %dma_wait3A_60 = arith.constant 0 : i32
    %dma_wait3A_61 = tpu.memref_slice %arg13[%dma_wait3A_59, %dma_wait3A_60] : memref<320x128xf32, #tpu.memory_space<vmem>> -> memref<80x128xf32, #tpu.memory_space<vmem>>
    %dma_wait3A_62 = arith.constant 80 : i32
    %dma_wait3A_63 = tpu.memref_slice %arg12[%dma_wait3A_62] : memref<320xi32, #tpu.memory_space<vmem>> -> memref<80xi32, #tpu.memory_space<vmem>>
    %dma_wait3A_64 = arith.constant 0 : i32
    %dma_wait3A_65 = arith.constant 0 : i32
    %dma_wait3A_66 = tpu.memref_slice %arg2[%dma_wait3A_64, %dma_wait3A_65] : memref<10000x128xf32, #tpu.memory_space<hbm>> -> memref<10000x128xf32, #tpu.memory_space<hbm>>
    tpu.wait_indirect_dma semaphore(%arg21 : memref<!tpu.dma_semaphore, #tpu.memory_space<semaphore_mem>>) src(%dma_wait3A_66 : memref<10000x128xf32, #tpu.memory_space<hbm>>) dst(%dma_wait3A_61 : memref<80x128xf32, #tpu.memory_space<vmem>>)
    %dma_start3A_67 = arith.constant 160 : i32
    %dma_start3A_68 = arith.constant 0 : i32
    %dma_start3A_69 = tpu.memref_slice %arg13[%dma_start3A_67, %dma_start3A_68] : memref<320x128xf32, #tpu.memory_space<vmem>> -> memref<80x128xf32, #tpu.memory_space<vmem>>
    %dma_start3A_70 = arith.constant 160 : i32
    %dma_start3A_71 = tpu.memref_slice %arg12[%dma_start3A_70] : memref<320xi32, #tpu.memory_space<vmem>> -> memref<80xi32, #tpu.memory_space<vmem>>
    %dma_start3A_72 = arith.constant 0 : i32
    %dma_start3A_73 = arith.constant 0 : i32
    %dma_start3A_74 = tpu.memref_slice %arg2[%dma_start3A_72, %dma_start3A_73] : memref<10000x128xf32, #tpu.memory_space<hbm>> -> memref<10000x128xf32, #tpu.memory_space<hbm>>
    tpu.enqueue_indirect_dma source(%dma_start3A_74 : memref<10000x128xf32, #tpu.memory_space<hbm>>) target(%dma_start3A_69 : memref<80x128xf32, #tpu.memory_space<vmem>>) offsets(%dma_start3A_71 : memref<80xi32, #tpu.memory_space<vmem>>) semaphore(%arg21 : memref<!tpu.dma_semaphore, #tpu.memory_space<semaphore_mem>>)
    %dma_wait3A_75 = arith.constant 160 : i32
    %dma_wait3A_76 = arith.constant 0 : i32
    %dma_wait3A_77 = tpu.memref_slice %arg13[%dma_wait3A_75, %dma_wait3A_76] : memref<320x128xf32, #tpu.memory_space<vmem>> -> memref<80x128xf32, #tpu.memory_space<vmem>>
    %dma_wait3A_78 = arith.constant 160 : i32
    %dma_wait3A_79 = tpu.memref_slice %arg12[%dma_wait3A_78] : memref<320xi32, #tpu.memory_space<vmem>> -> memref<80xi32, #tpu.memory_space<vmem>>
    %dma_wait3A_80 = arith.constant 0 : i32
    %dma_wait3A_81 = arith.constant 0 : i32
    %dma_wait3A_82 = tpu.memref_slice %arg2[%dma_wait3A_80, %dma_wait3A_81] : memref<10000x128xf32, #tpu.memory_space<hbm>> -> memref<10000x128xf32, #tpu.memory_space<hbm>>
    tpu.wait_indirect_dma semaphore(%arg21 : memref<!tpu.dma_semaphore, #tpu.memory_space<semaphore_mem>>) src(%dma_wait3A_82 : memref<10000x128xf32, #tpu.memory_space<hbm>>) dst(%dma_wait3A_77 : memref<80x128xf32, #tpu.memory_space<vmem>>)
    %dma_start3A_83 = arith.constant 240 : i32
    %dma_start3A_84 = arith.constant 0 : i32
    %dma_start3A_85 = tpu.memref_slice %arg13[%dma_start3A_83, %dma_start3A_84] : memref<320x128xf32, #tpu.memory_space<vmem>> -> memref<80x128xf32, #tpu.memory_space<vmem>>
    %dma_start3A_86 = arith.constant 240 : i32
    %dma_start3A_87 = tpu.memref_slice %arg12[%dma_start3A_86] : memref<320xi32, #tpu.memory_space<vmem>> -> memref<80xi32, #tpu.memory_space<vmem>>
    %dma_start3A_88 = arith.constant 0 : i32
    %dma_start3A_89 = arith.constant 0 : i32
    %dma_start3A_90 = tpu.memref_slice %arg2[%dma_start3A_88, %dma_start3A_89] : memref<10000x128xf32, #tpu.memory_space<hbm>> -> memref<10000x128xf32, #tpu.memory_space<hbm>>
    tpu.enqueue_indirect_dma source(%dma_start3A_90 : memref<10000x128xf32, #tpu.memory_space<hbm>>) target(%dma_start3A_85 : memref<80x128xf32, #tpu.memory_space<vmem>>) offsets(%dma_start3A_87 : memref<80xi32, #tpu.memory_space<vmem>>) semaphore(%arg21 : memref<!tpu.dma_semaphore, #tpu.memory_space<semaphore_mem>>)
    %dma_wait3A_91 = arith.constant 240 : i32
    %dma_wait3A_92 = arith.constant 0 : i32
    %dma_wait3A_93 = tpu.memref_slice %arg13[%dma_wait3A_91, %dma_wait3A_92] : memref<320x128xf32, #tpu.memory_space<vmem>> -> memref<80x128xf32, #tpu.memory_space<vmem>>
    %dma_wait3A_94 = arith.constant 240 : i32
    %dma_wait3A_95 = tpu.memref_slice %arg12[%dma_wait3A_94] : memref<320xi32, #tpu.memory_space<vmem>> -> memref<80xi32, #tpu.memory_space<vmem>>
    %dma_wait3A_96 = arith.constant 0 : i32
    %dma_wait3A_97 = arith.constant 0 : i32
    %dma_wait3A_98 = tpu.memref_slice %arg2[%dma_wait3A_96, %dma_wait3A_97] : memref<10000x128xf32, #tpu.memory_space<hbm>> -> memref<10000x128xf32, #tpu.memory_space<hbm>>
    tpu.wait_indirect_dma semaphore(%arg21 : memref<!tpu.dma_semaphore, #tpu.memory_space<semaphore_mem>>) src(%dma_wait3A_98 : memref<10000x128xf32, #tpu.memory_space<hbm>>) dst(%dma_wait3A_93 : memref<80x128xf32, #tpu.memory_space<vmem>>)
    %scan3A_99 = arith.constant 0 : i32
    %scan3A_100 = arith.constant 0 : i32
    %scan3A_101 = arith.constant 200 : i32
    %scan3A_102 = arith.addi %scan3A_100, %scan3A_101 : i32
    %scan3A_103 = arith.constant 1 : i32
    scf.for %scan3A_118 = %scan3A_100 to %scan3A_102 step %scan3A_103  : i32 {
      %mul3A_119 = arith.constant 16 : i32
      %mul3A_120 = arith.muli %scan3A_118, %mul3A_119 : i32
      %swap3A = arith.index_cast %mul3A_120 : i32 to index
      %swap3A_121 = tpu.vector_load %arg16[%swap3A] {strides = array<i32>} : memref<3216xi32, #tpu.memory_space<vmem>>, vector<16xi32>,
      tpu.vector_store %arg16[%swap3A], %broadcast_in_dim3A_6 {strides = array<i32>} : memref<3216xi32, #tpu.memory_space<vmem>>, vector<16xi32>,
    }
    %scan3A_104 = arith.constant 200 : i32
    %scan3A_105 = arith.constant 0 : i32
    %scan3A_106 = arith.constant 0 : i32
    %scan3A_107 = arith.constant 50 : i32
    %scan3A_108 = arith.addi %scan3A_106, %scan3A_107 : i32
    %scan3A_109 = arith.constant 1 : i32
    scf.for %scan3A_118 = %scan3A_106 to %scan3A_108 step %scan3A_109  : i32 {
      %mul3A_119 = arith.constant 3200 : i32
      %mul3A_120 = arith.muli %scan3A_118, %mul3A_119 : i32
      %add3A_121 = arith.addi %mul3A_3, %mul3A_120 : i32
      "tpu.region"() ({
        %run_scoped3A = tpu.sem_alloc : memref<!tpu.dma_semaphore, #tpu.memory_space<semaphore_mem>>
        %dma_start3A_130 = tpu.memref_slice %arg5[%add3A_121] : memref<320000xi32, #tpu.memory_space<hbm>> -> memref<3200xi32, #tpu.memory_space<hbm>>
        %dma_start3A_131 = tpu.memref_slice %arg5[%add3A_121] : memref<320000xi32, #tpu.memory_space<hbm>> -> memref<3200xi32, #tpu.memory_space<hbm>>
        tpu.enqueue_dma source(%dma_start3A_131 : memref<3200xi32, #tpu.memory_space<hbm>>) target(%arg14 : memref<3200xi32, #tpu.memory_space<vmem>>) target_semaphore(%run_scoped3A : memref<!tpu.dma_semaphore, #tpu.memory_space<semaphore_mem>>)
        %dma_wait3A_132 = tpu.memref_slice %arg5[%add3A_121] : memref<320000xi32, #tpu.memory_space<hbm>> -> memref<3200xi32, #tpu.memory_space<hbm>>
        %dma_wait3A_133 = tpu.memref_slice %arg5[%add3A_121] : memref<320000xi32, #tpu.memory_space<hbm>> -> memref<3200xi32, #tpu.memory_space<hbm>>
        tpu.wait_dma2 semaphore(%run_scoped3A : memref<!tpu.dma_semaphore, #tpu.memory_space<semaphore_mem>>) src(%dma_wait3A_133 : memref<3200xi32, #tpu.memory_space<hbm>>) dst(%arg14 : memref<3200xi32, #tpu.memory_space<vmem>>)
        tpu.yield
      }) : () -> ()
      "tpu.region"() ({
        %run_scoped3A = tpu.sem_alloc : memref<!tpu.dma_semaphore, #tpu.memory_space<semaphore_mem>>
        %dma_start3A_130 = tpu.memref_slice %arg4[%add3A_121] : memref<320000xi32, #tpu.memory_space<hbm>> -> memref<3200xi32, #tpu.memory_space<hbm>>
        %dma_start3A_131 = tpu.memref_slice %arg4[%add3A_121] : memref<320000xi32, #tpu.memory_space<hbm>> -> memref<3200xi32, #tpu.memory_space<hbm>>
        tpu.enqueue_dma source(%dma_start3A_131 : memref<3200xi32, #tpu.memory_space<hbm>>) target(%arg15 : memref<3200xi32, #tpu.memory_space<vmem>>) target_semaphore(%run_scoped3A : memref<!tpu.dma_semaphore, #tpu.memory_space<semaphore_mem>>)
        %dma_wait3A_132 = tpu.memref_slice %arg4[%add3A_121] : memref<320000xi32, #tpu.memory_space<hbm>> -> memref<3200xi32, #tpu.memory_space<hbm>>
        %dma_wait3A_133 = tpu.memref_slice %arg4[%add3A_121] : memref<320000xi32, #tpu.memory_space<hbm>> -> memref<3200xi32, #tpu.memory_space<hbm>>
        tpu.wait_dma2 semaphore(%run_scoped3A : memref<!tpu.dma_semaphore, #tpu.memory_space<semaphore_mem>>) src(%dma_wait3A_133 : memref<3200xi32, #tpu.memory_space<hbm>>) dst(%arg15 : memref<3200xi32, #tpu.memory_space<vmem>>)
        tpu.yield
      }) : () -> ()
      %scan3A_122 = arith.constant 0 : i32
      %scan3A_123 = arith.constant 0 : i32
      %scan3A_124 = arith.constant 50 : i32
      %scan3A_125 = arith.addi %scan3A_123, %scan3A_124 : i32
      %scan3A_126 = arith.constant 1 : i32
      %scan3A_127 = scf.for %scan3A_130 = %scan3A_123 to %scan3A_125 step %scan3A_126 iter_args(%scan3A_131 = %scan3A_122) -> (i32)  : i32 {
        %mul3A_132 = arith.constant 64 : i32
        %mul3A_133 = arith.muli %scan3A_130, %mul3A_132 : i32
        %add3A_134 = arith.constant 0 : i32
        %add3A_135 = arith.addi %mul3A_133, %add3A_134 : i32
        %get3A = arith.index_cast %add3A_135 : i32 to index
        %get3A_136 = tpu.vector_load %arg14[%get3A] {strides = array<i32>} : memref<3200xi32, #tpu.memory_space<vmem>>, vector<16xi32>,
        %gather3A = tpu.vector_load_idx %arg10[%get3A_136] : memref<10112xi32, #tpu.memory_space<vmem>>[vector<16xi32>], vector<16xi32>,
        %ge3A = vector.broadcast %mul3A_0 : i32 to vector<16xi32>
        %ge3A_137 = arith.cmpi sge, %gather3A, %ge3A : vector<16xi32>
        %lt3A = vector.broadcast %add3A_1 : i32 to vector<16xi32>
        %lt3A_138 = arith.cmpi slt, %gather3A, %lt3A : vector<16xi32>
        %and3A = arith.andi %ge3A_137, %lt3A_138 : vector<16xi1>
        %get3A_139 = arith.index_cast %add3A_135 : i32 to index
        %get3A_140 = tpu.vector_load %arg15[%get3A_139] {strides = array<i32>} : memref<3200xi32, #tpu.memory_space<vmem>>, vector<16xi32>,
        %all_reduce_population_count3A = tpu.all_reduce %and3A {dim = 0 : i64, kind = #tpu.reduction_kind<sum>} : vector<16xi1> -> vector<16xi32>
        %slice3A = vector.extract_strided_slice %all_reduce_population_count3A {offsets = [0], sizes = [1], strides = [1]} : vector<16xi32> to vector<1xi32>
        %squeeze3A = vector.extract %slice3A[0] : i32 from vector<1xi32>
        %swap3A = arith.index_cast %scan3A_131 : i32 to index
        %swap3A_141 = tpu.vector_load %arg16[%swap3A] masked %and3A {strides = array<i32>} : memref<3216xi32, #tpu.memory_space<vmem>>, vector<16xi32>, vector<16xi1>
        tpu.vector_store %arg16[%swap3A], %get3A_140 masked %and3A {strides = array<i32>} : memref<3216xi32, #tpu.memory_space<vmem>>, vector<16xi32>, vector<16xi1>
        %swap3A_142 = arith.index_cast %scan3A_131 : i32 to index
        %swap3A_143 = tpu.vector_load %arg17[%swap3A_142] masked %and3A {strides = array<i32>} : memref<3216xi32, #tpu.memory_space<vmem>>, vector<16xi32>, vector<16xi1>
        tpu.vector_store %arg17[%swap3A_142], %gather3A masked %and3A {strides = array<i32>} : memref<3216xi32, #tpu.memory_space<vmem>>, vector<16xi32>, vector<16xi1>
        %add3A_144 = arith.addi %scan3A_131, %squeeze3A : i32
        %mul3A_145 = arith.constant 64 : i32
        %mul3A_146 = arith.muli %scan3A_130, %mul3A_145 : i32
        %add3A_147 = arith.constant 16 : i32
        %add3A_148 = arith.addi %mul3A_146, %add3A_147 : i32
        %get3A_149 = arith.index_cast %add3A_148 : i32 to index
        %get3A_150 = tpu.vector_load %arg14[%get3A_149] {strides = array<i32>} : memref<3200xi32, #tpu.memory_space<vmem>>, vector<16xi32>,
        %gather3A_151 = tpu.vector_load_idx %arg10[%get3A_150] : memref<10112xi32, #tpu.memory_space<vmem>>[vector<16xi32>], vector<16xi32>,
        %ge3A_152 = vector.broadcast %mul3A_0 : i32 to vector<16xi32>
        %ge3A_153 = arith.cmpi sge, %gather3A_151, %ge3A_152 : vector<16xi32>
        %lt3A_154 = vector.broadcast %add3A_1 : i32 to vector<16xi32>
        %lt3A_155 = arith.cmpi slt, %gather3A_151, %lt3A_154 : vector<16xi32>
        %and3A_156 = arith.andi %ge3A_153, %lt3A_155 : vector<16xi1>
        %get3A_157 = arith.index_cast %add3A_148 : i32 to index
        %get3A_158 = tpu.vector_load %arg15[%get3A_157] {strides = array<i32>} : memref<3200xi32, #tpu.memory_space<vmem>>, vector<16xi32>,
        %all_reduce_population_count3A_159 = tpu.all_reduce %and3A_156 {dim = 0 : i64, kind = #tpu.reduction_kind<sum>} : vector<16xi1> -> vector<16xi32>
        %slice3A_160 = vector.extract_strided_slice %all_reduce_population_count3A_159 {offsets = [0], sizes = [1], strides = [1]} : vector<16xi32> to vector<1xi32>
        %squeeze3A_161 = vector.extract %slice3A_160[0] : i32 from vector<1xi32>
        %swap3A_162 = arith.index_cast %add3A_144 : i32 to index
        %swap3A_163 = tpu.vector_load %arg16[%swap3A_162] masked %and3A_156 {strides = array<i32>} : memref<3216xi32, #tpu.memory_space<vmem>>, vector<16xi32>, vector<16xi1>
        tpu.vector_store %arg16[%swap3A_162], %get3A_158 masked %and3A_156 {strides = array<i32>} : memref<3216xi32, #tpu.memory_space<vmem>>, vector<16xi32>, vector<16xi1>
        %swap3A_164 = arith.index_cast %add3A_144 : i32 to index
        %swap3A_165 = tpu.vector_load %arg17[%swap3A_164] masked %and3A_156 {strides = array<i32>} : memref<3216xi32, #tpu.memory_space<vmem>>, vector<16xi32>, vector<16xi1>
        tpu.vector_store %arg17[%swap3A_164], %gather3A_151 masked %and3A_156 {strides = array<i32>} : memref<3216xi32, #tpu.memory_space<vmem>>, vector<16xi32>, vector<16xi1>
        %add3A_166 = arith.addi %add3A_144, %squeeze3A_161 : i32
        %mul3A_167 = arith.constant 64 : i32
        %mul3A_168 = arith.muli %scan3A_130, %mul3A_167 : i32
        %add3A_169 = arith.constant 32 : i32
        %add3A_170 = arith.addi %mul3A_168, %add3A_169 : i32
        %get3A_171 = arith.index_cast %add3A_170 : i32 to index
        %get3A_172 = tpu.vector_load %arg14[%get3A_171] {strides = array<i32>} : memref<3200xi32, #tpu.memory_space<vmem>>, vector<16xi32>,
        %gather3A_173 = tpu.vector_load_idx %arg10[%get3A_172] : memref<10112xi32, #tpu.memory_space<vmem>>[vector<16xi32>], vector<16xi32>,
        %ge3A_174 = vector.broadcast %mul3A_0 : i32 to vector<16xi32>
        %ge3A_175 = arith.cmpi sge, %gather3A_173, %ge3A_174 : vector<16xi32>
        %lt3A_176 = vector.broadcast %add3A_1 : i32 to vector<16xi32>
        %lt3A_177 = arith.cmpi slt, %gather3A_173, %lt3A_176 : vector<16xi32>
        %and3A_178 = arith.andi %ge3A_175, %lt3A_177 : vector<16xi1>
        %get3A_179 = arith.index_cast %add3A_170 : i32 to index
        %get3A_180 = tpu.vector_load %arg15[%get3A_179] {strides = array<i32>} : memref<3200xi32, #tpu.memory_space<vmem>>, vector<16xi32>,
        %all_reduce_population_count3A_181 = tpu.all_reduce %and3A_178 {dim = 0 : i64, kind = #tpu.reduction_kind<sum>} : vector<16xi1> -> vector<16xi32>
        %slice3A_182 = vector.extract_strided_slice %all_reduce_population_count3A_181 {offsets = [0], sizes = [1], strides = [1]} : vector<16xi32> to vector<1xi32>
        %squeeze3A_183 = vector.extract %slice3A_182[0] : i32 from vector<1xi32>
        %swap3A_184 = arith.index_cast %add3A_166 : i32 to index
        %swap3A_185 = tpu.vector_load %arg16[%swap3A_184] masked %and3A_178 {strides = array<i32>} : memref<3216xi32, #tpu.memory_space<vmem>>, vector<16xi32>, vector<16xi1>
        tpu.vector_store %arg16[%swap3A_184], %get3A_180 masked %and3A_178 {strides = array<i32>} : memref<3216xi32, #tpu.memory_space<vmem>>, vector<16xi32>, vector<16xi1>
        %swap3A_186 = arith.index_cast %add3A_166 : i32 to index
        %swap3A_187 = tpu.vector_load %arg17[%swap3A_186] masked %and3A_178 {strides = array<i32>} : memref<3216xi32, #tpu.memory_space<vmem>>, vector<16xi32>, vector<16xi1>
        tpu.vector_store %arg17[%swap3A_186], %gather3A_173 masked %and3A_178 {strides = array<i32>} : memref<3216xi32, #tpu.memory_space<vmem>>, vector<16xi32>, vector<16xi1>
        %add3A_188 = arith.addi %add3A_166, %squeeze3A_183 : i32
        %mul3A_189 = arith.constant 64 : i32
        %mul3A_190 = arith.muli %scan3A_130, %mul3A_189 : i32
        %add3A_191 = arith.constant 48 : i32
        %add3A_192 = arith.addi %mul3A_190, %add3A_191 : i32
        %get3A_193 = arith.index_cast %add3A_192 : i32 to index
        %get3A_194 = tpu.vector_load %arg14[%get3A_193] {strides = array<i32>} : memref<3200xi32, #tpu.memory_space<vmem>>, vector<16xi32>,
        %gather3A_195 = tpu.vector_load_idx %arg10[%get3A_194] : memref<10112xi32, #tpu.memory_space<vmem>>[vector<16xi32>], vector<16xi32>,
        %ge3A_196 = vector.broadcast %mul3A_0 : i32 to vector<16xi32>
        %ge3A_197 = arith.cmpi sge, %gather3A_195, %ge3A_196 : vector<16xi32>
        %lt3A_198 = vector.broadcast %add3A_1 : i32 to vector<16xi32>
        %lt3A_199 = arith.cmpi slt, %gather3A_195, %lt3A_198 : vector<16xi32>
        %and3A_200 = arith.andi %ge3A_197, %lt3A_199 : vector<16xi1>
        %get3A_201 = arith.index_cast %add3A_192 : i32 to index
        %get3A_202 = tpu.vector_load %arg15[%get3A_201] {strides = array<i32>} : memref<3200xi32, #tpu.memory_space<vmem>>, vector<16xi32>,
        %all_reduce_population_count3A_203 = tpu.all_reduce %and3A_200 {dim = 0 : i64, kind = #tpu.reduction_kind<sum>} : vector<16xi1> -> vector<16xi32>
        %slice3A_204 = vector.extract_strided_slice %all_reduce_population_count3A_203 {offsets = [0], sizes = [1], strides = [1]} : vector<16xi32> to vector<1xi32>
        %squeeze3A_205 = vector.extract %slice3A_204[0] : i32 from vector<1xi32>
        %swap3A_206 = arith.index_cast %add3A_188 : i32 to index
        %swap3A_207 = tpu.vector_load %arg16[%swap3A_206] masked %and3A_200 {strides = array<i32>} : memref<3216xi32, #tpu.memory_space<vmem>>, vector<16xi32>, vector<16xi1>
        tpu.vector_store %arg16[%swap3A_206], %get3A_202 masked %and3A_200 {strides = array<i32>} : memref<3216xi32, #tpu.memory_space<vmem>>, vector<16xi32>, vector<16xi1>
        %swap3A_208 = arith.index_cast %add3A_188 : i32 to index
        %swap3A_209 = tpu.vector_load %arg17[%swap3A_208] masked %and3A_200 {strides = array<i32>} : memref<3216xi32, #tpu.memory_space<vmem>>, vector<16xi32>, vector<16xi1>
        tpu.vector_store %arg17[%swap3A_208], %gather3A_195 masked %and3A_200 {strides = array<i32>} : memref<3216xi32, #tpu.memory_space<vmem>>, vector<16xi32>, vector<16xi1>
        %add3A_210 = arith.addi %add3A_188, %squeeze3A_205 : i32
        scf.yield %add3A_210 : i32
      }
      %scan3A_128 = arith.constant 50 : i32
      %while3A = arith.constant 0 : i32
      %while3A_129 = scf.while (%while3A_130 = %while3A) : (i32) -> i32 {
        %mul3A_131 = arith.constant 64 : i32
        %mul3A_132 = arith.muli %while3A_130, %mul3A_131 : i32
        %lt3A = arith.cmpi slt, %mul3A_132, %scan3A_127 : i32
        scf.condition(%lt3A) %while3A_130 : i32
      } do {
      ^bb0(%while3A_130: i32):
        %mul3A_131 = arith.constant 64 : i32
        %mul3A_132 = arith.muli %while3A_130, %mul3A_131 : i32
        %dma_start3A_133 = tpu.memref_slice %arg16[%mul3A_132] : memref<3216xi32, #tpu.memory_space<vmem>> -> memref<64xi32, #tpu.memory_space<vmem>>
        %dma_start3A_134 = arith.constant 0 : i32
        %dma_start3A_135 = arith.constant 0 : i32
        %dma_start3A_136 = tpu.memref_slice %arg2[%dma_start3A_134, %dma_start3A_135] : memref<10000x128xf32, #tpu.memory_space<hbm>> -> memref<10000x128xf32, #tpu.memory_space<hbm>>
        tpu.enqueue_indirect_dma source(%dma_start3A_136 : memref<10000x128xf32, #tpu.memory_space<hbm>>) target(%arg18 : memref<64x128xf32, #tpu.memory_space<vmem>>) offsets(%dma_start3A_133 : memref<64xi32, #tpu.memory_space<vmem>>) semaphore(%arg21 : memref<!tpu.dma_semaphore, #tpu.memory_space<semaphore_mem>>)
        %dma_wait3A_137 = tpu.memref_slice %arg16[%mul3A_132] : memref<3216xi32, #tpu.memory_space<vmem>> -> memref<64xi32, #tpu.memory_space<vmem>>
        %dma_wait3A_138 = arith.constant 0 : i32
        %dma_wait3A_139 = arith.constant 0 : i32
        %dma_wait3A_140 = tpu.memref_slice %arg2[%dma_wait3A_138, %dma_wait3A_139] : memref<10000x128xf32, #tpu.memory_space<hbm>> -> memref<10000x128xf32, #tpu.memory_space<hbm>>
        tpu.wait_indirect_dma semaphore(%arg21 : memref<!tpu.dma_semaphore, #tpu.memory_space<semaphore_mem>>) src(%dma_wait3A_140 : memref<10000x128xf32, #tpu.memory_space<hbm>>) dst(%arg18 : memref<64x128xf32, #tpu.memory_space<vmem>>)
        %sub3A = arith.subi %scan3A_127, %mul3A_132 : i32
        %min3A = arith.constant 64 : i32
        %min3A_141 = arith.minsi %min3A, %sub3A : i32
        %while3A_142 = arith.constant 0 : i32
        %while3A_143 = arith.constant 0 : i32
        %while3A_144 = arith.subi %min3A_141, %while3A_143 : i32
        %while3A_145 = arith.addi %while3A_143, %while3A_144 : i32
        %while3A_146 = arith.constant 1 : i32
        %while3A_147 = arith.divsi %while3A_144, %while3A_146 : i32
        %while3A_148 = arith.muli %while3A_147, %while3A_146 : i32
        %while3A_149 = arith.addi %while3A_143, %while3A_148 : i32
        %while3A_150 = arith.constant 1 : i32
        scf.for %while3A_154 = %while3A_143 to %while3A_149 step %while3A_150  : i32 {
          %add3A_155 = arith.addi %mul3A_132, %while3A_154 : i32
          %get3A = arith.index_cast %add3A_155 : i32 to index
          %get3A_156 = tpu.vector_load %arg17[%get3A] {strides = array<i32>} : memref<3216xi32, #tpu.memory_space<vmem>>, vector<16xi32>,
          %slice3A = vector.extract_strided_slice %get3A_156 {offsets = [0], sizes = [1], strides = [1]} : vector<16xi32> to vector<1xi32>
          %squeeze3A = vector.extract %slice3A[0] : i32 from vector<1xi32>
          %sub3A_157 = arith.subi %squeeze3A, %mul3A_0 : i32
          %get3A_158 = arith.index_cast %while3A_154 : i32 to index
          %get3A_159 = arith.constant 0 : index
          %get3A_160 = tpu.vector_load %arg18[%get3A_158, %get3A_159] {strides = array<i32>} : memref<64x128xf32, #tpu.memory_space<vmem>>, vector<16xf32>,
          %get3A_161 = arith.index_cast %while3A_154 : i32 to index
          %get3A_162 = arith.constant 16 : index
          %get3A_163 = tpu.vector_load %arg18[%get3A_161, %get3A_162] {strides = array<i32>} : memref<64x128xf32, #tpu.memory_space<vmem>>, vector<16xf32>,
          %get3A_164 = arith.index_cast %while3A_154 : i32 to index
          %get3A_165 = arith.constant 32 : index
          %get3A_166 = tpu.vector_load %arg18[%get3A_164, %get3A_165] {strides = array<i32>} : memref<64x128xf32, #tpu.memory_space<vmem>>, vector<16xf32>,
          %get3A_167 = arith.index_cast %while3A_154 : i32 to index
          %get3A_168 = arith.constant 48 : index
          %get3A_169 = tpu.vector_load %arg18[%get3A_167, %get3A_168] {strides = array<i32>} : memref<64x128xf32, #tpu.memory_space<vmem>>, vector<16xf32>,
          %get3A_170 = arith.index_cast %while3A_154 : i32 to index
          %get3A_171 = arith.constant 64 : index
          %get3A_172 = tpu.vector_load %arg18[%get3A_170, %get3A_171] {strides = array<i32>} : memref<64x128xf32, #tpu.memory_space<vmem>>, vector<16xf32>,
          %get3A_173 = arith.index_cast %while3A_154 : i32 to index
          %get3A_174 = arith.constant 80 : index
          %get3A_175 = tpu.vector_load %arg18[%get3A_173, %get3A_174] {strides = array<i32>} : memref<64x128xf32, #tpu.memory_space<vmem>>, vector<16xf32>,
          %get3A_176 = arith.index_cast %while3A_154 : i32 to index
          %get3A_177 = arith.constant 96 : index
          %get3A_178 = tpu.vector_load %arg18[%get3A_176, %get3A_177] {strides = array<i32>} : memref<64x128xf32, #tpu.memory_space<vmem>>, vector<16xf32>,
          %get3A_179 = arith.index_cast %while3A_154 : i32 to index
          %get3A_180 = arith.constant 112 : index
          %get3A_181 = tpu.vector_load %arg18[%get3A_179, %get3A_180] {strides = array<i32>} : memref<64x128xf32, #tpu.memory_space<vmem>>, vector<16xf32>,
          %get3A_182 = arith.index_cast %sub3A_157 : i32 to index
          %get3A_183 = arith.constant 0 : index
          %get3A_184 = tpu.vector_load %arg13[%get3A_182, %get3A_183] {strides = array<i32>} : memref<320x128xf32, #tpu.memory_space<vmem>>, vector<16xf32>,
          %get3A_185 = arith.index_cast %sub3A_157 : i32 to index
          %get3A_186 = arith.constant 16 : index
          %get3A_187 = tpu.vector_load %arg13[%get3A_185, %get3A_186] {strides = array<i32>} : memref<320x128xf32, #tpu.memory_space<vmem>>, vector<16xf32>,
          %get3A_188 = arith.index_cast %sub3A_157 : i32 to index
          %get3A_189 = arith.constant 32 : index
          %get3A_190 = tpu.vector_load %arg13[%get3A_188, %get3A_189] {strides = array<i32>} : memref<320x128xf32, #tpu.memory_space<vmem>>, vector<16xf32>,
          %get3A_191 = arith.index_cast %sub3A_157 : i32 to index
          %get3A_192 = arith.constant 48 : index
          %get3A_193 = tpu.vector_load %arg13[%get3A_191, %get3A_192] {strides = array<i32>} : memref<320x128xf32, #tpu.memory_space<vmem>>, vector<16xf32>,
          %get3A_194 = arith.index_cast %sub3A_157 : i32 to index
          %get3A_195 = arith.constant 64 : index
          %get3A_196 = tpu.vector_load %arg13[%get3A_194, %get3A_195] {strides = array<i32>} : memref<320x128xf32, #tpu.memory_space<vmem>>, vector<16xf32>,
          %get3A_197 = arith.index_cast %sub3A_157 : i32 to index
          %get3A_198 = arith.constant 80 : index
          %get3A_199 = tpu.vector_load %arg13[%get3A_197, %get3A_198] {strides = array<i32>} : memref<320x128xf32, #tpu.memory_space<vmem>>, vector<16xf32>,
          %get3A_200 = arith.index_cast %sub3A_157 : i32 to index
          %get3A_201 = arith.constant 96 : index
          %get3A_202 = tpu.vector_load %arg13[%get3A_200, %get3A_201] {strides = array<i32>} : memref<320x128xf32, #tpu.memory_space<vmem>>, vector<16xf32>,
          %get3A_203 = arith.index_cast %sub3A_157 : i32 to index
          %get3A_204 = arith.constant 112 : index
          %get3A_205 = tpu.vector_load %arg13[%get3A_203, %get3A_204] {strides = array<i32>} : memref<320x128xf32, #tpu.memory_space<vmem>>, vector<16xf32>,
          %max3A = arith.maximumf %get3A_184, %get3A_160 : vector<16xf32>
          %swap3A = arith.index_cast %sub3A_157 : i32 to index
          %swap3A_206 = arith.constant 0 : index
          %swap3A_207 = tpu.vector_load %arg13[%swap3A, %swap3A_206] {strides = array<i32>} : memref<320x128xf32, #tpu.memory_space<vmem>>, vector<16xf32>,
          tpu.vector_store %arg13[%swap3A, %swap3A_206], %max3A {strides = array<i32>} : memref<320x128xf32, #tpu.memory_space<vmem>>, vector<16xf32>,
          %max3A_208 = arith.maximumf %get3A_187, %get3A_163 : vector<16xf32>
          %swap3A_209 = arith.index_cast %sub3A_157 : i32 to index
          %swap3A_210 = arith.constant 16 : index
          %swap3A_211 = tpu.vector_load %arg13[%swap3A_209, %swap3A_210] {strides = array<i32>} : memref<320x128xf32, #tpu.memory_space<vmem>>, vector<16xf32>,
          tpu.vector_store %arg13[%swap3A_209, %swap3A_210], %max3A_208 {strides = array<i32>} : memref<320x128xf32, #tpu.memory_space<vmem>>, vector<16xf32>,
          %max3A_212 = arith.maximumf %get3A_190, %get3A_166 : vector<16xf32>
          %swap3A_213 = arith.index_cast %sub3A_157 : i32 to index
          %swap3A_214 = arith.constant 32 : index
          %swap3A_215 = tpu.vector_load %arg13[%swap3A_213, %swap3A_214] {strides = array<i32>} : memref<320x128xf32, #tpu.memory_space<vmem>>, vector<16xf32>,
          tpu.vector_store %arg13[%swap3A_213, %swap3A_214], %max3A_212 {strides = array<i32>} : memref<320x128xf32, #tpu.memory_space<vmem>>, vector<16xf32>,
          %max3A_216 = arith.maximumf %get3A_193, %get3A_169 : vector<16xf32>
          %swap3A_217 = arith.index_cast %sub3A_157 : i32 to index
          %swap3A_218 = arith.constant 48 : index
          %swap3A_219 = tpu.vector_load %arg13[%swap3A_217, %swap3A_218] {strides = array<i32>} : memref<320x128xf32, #tpu.memory_space<vmem>>, vector<16xf32>,
          tpu.vector_store %arg13[%swap3A_217, %swap3A_218], %max3A_216 {strides = array<i32>} : memref<320x128xf32, #tpu.memory_space<vmem>>, vector<16xf32>,
          %max3A_220 = arith.maximumf %get3A_196, %get3A_172 : vector<16xf32>
          %swap3A_221 = arith.index_cast %sub3A_157 : i32 to index
          %swap3A_222 = arith.constant 64 : index
          %swap3A_223 = tpu.vector_load %arg13[%swap3A_221, %swap3A_222] {strides = array<i32>} : memref<320x128xf32, #tpu.memory_space<vmem>>, vector<16xf32>,
          tpu.vector_store %arg13[%swap3A_221, %swap3A_222], %max3A_220 {strides = array<i32>} : memref<320x128xf32, #tpu.memory_space<vmem>>, vector<16xf32>,
          %max3A_224 = arith.maximumf %get3A_199, %get3A_175 : vector<16xf32>
          %swap3A_225 = arith.index_cast %sub3A_157 : i32 to index
          %swap3A_226 = arith.constant 80 : index
          %swap3A_227 = tpu.vector_load %arg13[%swap3A_225, %swap3A_226] {strides = array<i32>} : memref<320x128xf32, #tpu.memory_space<vmem>>, vector<16xf32>,
          tpu.vector_store %arg13[%swap3A_225, %swap3A_226], %max3A_224 {strides = array<i32>} : memref<320x128xf32, #tpu.memory_space<vmem>>, vector<16xf32>,
          %max3A_228 = arith.maximumf %get3A_202, %get3A_178 : vector<16xf32>
          %swap3A_229 = arith.index_cast %sub3A_157 : i32 to index
          %swap3A_230 = arith.constant 96 : index
          %swap3A_231 = tpu.vector_load %arg13[%swap3A_229, %swap3A_230] {strides = array<i32>} : memref<320x128xf32, #tpu.memory_space<vmem>>, vector<16xf32>,
          tpu.vector_store %arg13[%swap3A_229, %swap3A_230], %max3A_228 {strides = array<i32>} : memref<320x128xf32, #tpu.memory_space<vmem>>, vector<16xf32>,
          %max3A_232 = arith.maximumf %get3A_205, %get3A_181 : vector<16xf32>
          %swap3A_233 = arith.index_cast %sub3A_157 : i32 to index
          %swap3A_234 = arith.constant 112 : index
          %swap3A_235 = tpu.vector_load %arg13[%swap3A_233, %swap3A_234] {strides = array<i32>} : memref<320x128xf32, #tpu.memory_space<vmem>>, vector<16xf32>,
          tpu.vector_store %arg13[%swap3A_233, %swap3A_234], %max3A_232 {strides = array<i32>} : memref<320x128xf32, #tpu.memory_space<vmem>>, vector<16xf32>,
        }
        %while3A_151 = arith.constant 1 : i32
        scf.for %while3A_154 = %while3A_149 to %while3A_145 step %while3A_151  : i32 {
          %add3A_155 = arith.addi %mul3A_132, %while3A_154 : i32
          %get3A = arith.index_cast %add3A_155 : i32 to index
          %get3A_156 = tpu.vector_load %arg17[%get3A] {strides = array<i32>} : memref<3216xi32, #tpu.memory_space<vmem>>, vector<16xi32>,
          %slice3A = vector.extract_strided_slice %get3A_156 {offsets = [0], sizes = [1], strides = [1]} : vector<16xi32> to vector<1xi32>
          %squeeze3A = vector.extract %slice3A[0] : i32 from vector<1xi32>
          %sub3A_157 = arith.subi %squeeze3A, %mul3A_0 : i32
          %get3A_158 = arith.index_cast %while3A_154 : i32 to index
          %get3A_159 = arith.constant 0 : index
          %get3A_160 = tpu.vector_load %arg18[%get3A_158, %get3A_159] {strides = array<i32>} : memref<64x128xf32, #tpu.memory_space<vmem>>, vector<16xf32>,
          %get3A_161 = arith.index_cast %while3A_154 : i32 to index
          %get3A_162 = arith.constant 16 : index
          %get3A_163 = tpu.vector_load %arg18[%get3A_161, %get3A_162] {strides = array<i32>} : memref<64x128xf32, #tpu.memory_space<vmem>>, vector<16xf32>,
          %get3A_164 = arith.index_cast %while3A_154 : i32 to index
          %get3A_165 = arith.constant 32 : index
          %get3A_166 = tpu.vector_load %arg18[%get3A_164, %get3A_165] {strides = array<i32>} : memref<64x128xf32, #tpu.memory_space<vmem>>, vector<16xf32>,
          %get3A_167 = arith.index_cast %while3A_154 : i32 to index
          %get3A_168 = arith.constant 48 : index
          %get3A_169 = tpu.vector_load %arg18[%get3A_167, %get3A_168] {strides = array<i32>} : memref<64x128xf32, #tpu.memory_space<vmem>>, vector<16xf32>,
          %get3A_170 = arith.index_cast %while3A_154 : i32 to index
          %get3A_171 = arith.constant 64 : index
          %get3A_172 = tpu.vector_load %arg18[%get3A_170, %get3A_171] {strides = array<i32>} : memref<64x128xf32, #tpu.memory_space<vmem>>, vector<16xf32>,
          %get3A_173 = arith.index_cast %while3A_154 : i32 to index
          %get3A_174 = arith.constant 80 : index
          %get3A_175 = tpu.vector_load %arg18[%get3A_173, %get3A_174] {strides = array<i32>} : memref<64x128xf32, #tpu.memory_space<vmem>>, vector<16xf32>,
          %get3A_176 = arith.index_cast %while3A_154 : i32 to index
          %get3A_177 = arith.constant 96 : index
          %get3A_178 = tpu.vector_load %arg18[%get3A_176, %get3A_177] {strides = array<i32>} : memref<64x128xf32, #tpu.memory_space<vmem>>, vector<16xf32>,
          %get3A_179 = arith.index_cast %while3A_154 : i32 to index
          %get3A_180 = arith.constant 112 : index
          %get3A_181 = tpu.vector_load %arg18[%get3A_179, %get3A_180] {strides = array<i32>} : memref<64x128xf32, #tpu.memory_space<vmem>>, vector<16xf32>,
          %get3A_182 = arith.index_cast %sub3A_157 : i32 to index
          %get3A_183 = arith.constant 0 : index
          %get3A_184 = tpu.vector_load %arg13[%get3A_182, %get3A_183] {strides = array<i32>} : memref<320x128xf32, #tpu.memory_space<vmem>>, vector<16xf32>,
          %get3A_185 = arith.index_cast %sub3A_157 : i32 to index
          %get3A_186 = arith.constant 16 : index
          %get3A_187 = tpu.vector_load %arg13[%get3A_185, %get3A_186] {strides = array<i32>} : memref<320x128xf32, #tpu.memory_space<vmem>>, vector<16xf32>,
          %get3A_188 = arith.index_cast %sub3A_157 : i32 to index
          %get3A_189 = arith.constant 32 : index
          %get3A_190 = tpu.vector_load %arg13[%get3A_188, %get3A_189] {strides = array<i32>} : memref<320x128xf32, #tpu.memory_space<vmem>>, vector<16xf32>,
          %get3A_191 = arith.index_cast %sub3A_157 : i32 to index
          %get3A_192 = arith.constant 48 : index
          %get3A_193 = tpu.vector_load %arg13[%get3A_191, %get3A_192] {strides = array<i32>} : memref<320x128xf32, #tpu.memory_space<vmem>>, vector<16xf32>,
          %get3A_194 = arith.index_cast %sub3A_157 : i32 to index
          %get3A_195 = arith.constant 64 : index
          %get3A_196 = tpu.vector_load %arg13[%get3A_194, %get3A_195] {strides = array<i32>} : memref<320x128xf32, #tpu.memory_space<vmem>>, vector<16xf32>,
          %get3A_197 = arith.index_cast %sub3A_157 : i32 to index
          %get3A_198 = arith.constant 80 : index
          %get3A_199 = tpu.vector_load %arg13[%get3A_197, %get3A_198] {strides = array<i32>} : memref<320x128xf32, #tpu.memory_space<vmem>>, vector<16xf32>,
          %get3A_200 = arith.index_cast %sub3A_157 : i32 to index
          %get3A_201 = arith.constant 96 : index
          %get3A_202 = tpu.vector_load %arg13[%get3A_200, %get3A_201] {strides = array<i32>} : memref<320x128xf32, #tpu.memory_space<vmem>>, vector<16xf32>,
          %get3A_203 = arith.index_cast %sub3A_157 : i32 to index
          %get3A_204 = arith.constant 112 : index
          %get3A_205 = tpu.vector_load %arg13[%get3A_203, %get3A_204] {strides = array<i32>} : memref<320x128xf32, #tpu.memory_space<vmem>>, vector<16xf32>,
          %max3A = arith.maximumf %get3A_184, %get3A_160 : vector<16xf32>
          %swap3A = arith.index_cast %sub3A_157 : i32 to index
          %swap3A_206 = arith.constant 0 : index
          %swap3A_207 = tpu.vector_load %arg13[%swap3A, %swap3A_206] {strides = array<i32>} : memref<320x128xf32, #tpu.memory_space<vmem>>, vector<16xf32>,
          tpu.vector_store %arg13[%swap3A, %swap3A_206], %max3A {strides = array<i32>} : memref<320x128xf32, #tpu.memory_space<vmem>>, vector<16xf32>,
          %max3A_208 = arith.maximumf %get3A_187, %get3A_163 : vector<16xf32>
          %swap3A_209 = arith.index_cast %sub3A_157 : i32 to index
          %swap3A_210 = arith.constant 16 : index
          %swap3A_211 = tpu.vector_load %arg13[%swap3A_209, %swap3A_210] {strides = array<i32>} : memref<320x128xf32, #tpu.memory_space<vmem>>, vector<16xf32>,
          tpu.vector_store %arg13[%swap3A_209, %swap3A_210], %max3A_208 {strides = array<i32>} : memref<320x128xf32, #tpu.memory_space<vmem>>, vector<16xf32>,
          %max3A_212 = arith.maximumf %get3A_190, %get3A_166 : vector<16xf32>
          %swap3A_213 = arith.index_cast %sub3A_157 : i32 to index
          %swap3A_214 = arith.constant 32 : index
          %swap3A_215 = tpu.vector_load %arg13[%swap3A_213, %swap3A_214] {strides = array<i32>} : memref<320x128xf32, #tpu.memory_space<vmem>>, vector<16xf32>,
          tpu.vector_store %arg13[%swap3A_213, %swap3A_214], %max3A_212 {strides = array<i32>} : memref<320x128xf32, #tpu.memory_space<vmem>>, vector<16xf32>,
          %max3A_216 = arith.maximumf %get3A_193, %get3A_169 : vector<16xf32>
          %swap3A_217 = arith.index_cast %sub3A_157 : i32 to index
          %swap3A_218 = arith.constant 48 : index
          %swap3A_219 = tpu.vector_load %arg13[%swap3A_217, %swap3A_218] {strides = array<i32>} : memref<320x128xf32, #tpu.memory_space<vmem>>, vector<16xf32>,
          tpu.vector_store %arg13[%swap3A_217, %swap3A_218], %max3A_216 {strides = array<i32>} : memref<320x128xf32, #tpu.memory_space<vmem>>, vector<16xf32>,
          %max3A_220 = arith.maximumf %get3A_196, %get3A_172 : vector<16xf32>
          %swap3A_221 = arith.index_cast %sub3A_157 : i32 to index
          %swap3A_222 = arith.constant 64 : index
          %swap3A_223 = tpu.vector_load %arg13[%swap3A_221, %swap3A_222] {strides = array<i32>} : memref<320x128xf32, #tpu.memory_space<vmem>>, vector<16xf32>,
          tpu.vector_store %arg13[%swap3A_221, %swap3A_222], %max3A_220 {strides = array<i32>} : memref<320x128xf32, #tpu.memory_space<vmem>>, vector<16xf32>,
          %max3A_224 = arith.maximumf %get3A_199, %get3A_175 : vector<16xf32>
          %swap3A_225 = arith.index_cast %sub3A_157 : i32 to index
          %swap3A_226 = arith.constant 80 : index
          %swap3A_227 = tpu.vector_load %arg13[%swap3A_225, %swap3A_226] {strides = array<i32>} : memref<320x128xf32, #tpu.memory_space<vmem>>, vector<16xf32>,
          tpu.vector_store %arg13[%swap3A_225, %swap3A_226], %max3A_224 {strides = array<i32>} : memref<320x128xf32, #tpu.memory_space<vmem>>, vector<16xf32>,
          %max3A_228 = arith.maximumf %get3A_202, %get3A_178 : vector<16xf32>
          %swap3A_229 = arith.index_cast %sub3A_157 : i32 to index
          %swap3A_230 = arith.constant 96 : index
          %swap3A_231 = tpu.vector_load %arg13[%swap3A_229, %swap3A_230] {strides = array<i32>} : memref<320x128xf32, #tpu.memory_space<vmem>>, vector<16xf32>,
          tpu.vector_store %arg13[%swap3A_229, %swap3A_230], %max3A_228 {strides = array<i32>} : memref<320x128xf32, #tpu.memory_space<vmem>>, vector<16xf32>,
          %max3A_232 = arith.maximumf %get3A_205, %get3A_181 : vector<16xf32>
          %swap3A_233 = arith.index_cast %sub3A_157 : i32 to index
          %swap3A_234 = arith.constant 112 : index
          %swap3A_235 = tpu.vector_load %arg13[%swap3A_233, %swap3A_234] {strides = array<i32>} : memref<320x128xf32, #tpu.memory_space<vmem>>, vector<16xf32>,
          tpu.vector_store %arg13[%swap3A_233, %swap3A_234], %max3A_232 {strides = array<i32>} : memref<320x128xf32, #tpu.memory_space<vmem>>, vector<16xf32>,
        }
        %add3A_152 = arith.constant 1 : i32
        %add3A_153 = arith.addi %while3A_130, %add3A_152 : i32
        scf.yield %add3A_153 : i32
      }
    }
    %scan3A_110 = arith.constant 50 : i32
    %eq3A = arith.constant 0 : i32
    %eq3A_111 = arith.cmpi eq, %arg0, %eq3A : i32
    %convert_element_type3A = arith.extui %eq3A_111 : i1 to i32
    %cond3A = arith.constant 0 : i32
    %cond3A_112 = arith.cmpi ne, %convert_element_type3A, %cond3A : i32
    scf.if %cond3A_112 {
      %dma_start3A_118 = arith.constant 0 : i32
      %dma_start3A_119 = tpu.memref_slice %arg12[%dma_start3A_118] : memref<320xi32, #tpu.memory_space<vmem>> -> memref<80xi32, #tpu.memory_space<vmem>>
      %dma_start3A_120 = arith.constant 0 : i32
      %dma_start3A_121 = arith.constant 0 : i32
      %dma_start3A_122 = tpu.memref_slice %arg6[%dma_start3A_120, %dma_start3A_121] : memref<10000x128xf32, #tpu.memory_space<hbm>> -> memref<10000x128xf32, #tpu.memory_space<hbm>>
      tpu.enqueue_indirect_dma source(%dma_start3A_122 : memref<10000x128xf32, #tpu.memory_space<hbm>>) target(%arg19 : memref<80x128xf32, #tpu.memory_space<vmem>>) offsets(%dma_start3A_119 : memref<80xi32, #tpu.memory_space<vmem>>) semaphore(%arg21 : memref<!tpu.dma_semaphore, #tpu.memory_space<semaphore_mem>>)
      %dma_wait3A_123 = arith.constant 0 : i32
      %dma_wait3A_124 = tpu.memref_slice %arg12[%dma_wait3A_123] : memref<320xi32, #tpu.memory_space<vmem>> -> memref<80xi32, #tpu.memory_space<vmem>>
      %dma_wait3A_125 = arith.constant 0 : i32
      %dma_wait3A_126 = arith.constant 0 : i32
      %dma_wait3A_127 = tpu.memref_slice %arg6[%dma_wait3A_125, %dma_wait3A_126] : memref<10000x128xf32, #tpu.memory_space<hbm>> -> memref<10000x128xf32, #tpu.memory_space<hbm>>
      tpu.wait_indirect_dma semaphore(%arg21 : memref<!tpu.dma_semaphore, #tpu.memory_space<semaphore_mem>>) src(%dma_wait3A_127 : memref<10000x128xf32, #tpu.memory_space<hbm>>) dst(%arg19 : memref<80x128xf32, #tpu.memory_space<vmem>>)
      %scan3A_128 = arith.constant 0 : i32
      %scan3A_129 = arith.constant 0 : i32
      %scan3A_130 = arith.constant 80 : i32
      %scan3A_131 = arith.addi %scan3A_129, %scan3A_130 : i32
      %scan3A_132 = arith.constant 1 : i32
      scf.for %scan3A_184 = %scan3A_129 to %scan3A_131 step %scan3A_132  : i32 {
        %get3A = arith.index_cast %scan3A_184 : i32 to index
        %get3A_185 = arith.constant 0 : index
        %get3A_186 = tpu.vector_load %arg19[%get3A, %get3A_185] {strides = array<i32>} : memref<80x128xf32, #tpu.memory_space<vmem>>, vector<16xf32>,
        %add3A_187 = arith.constant 0 : i32
        %add3A_188 = arith.addi %add3A_187, %scan3A_184 : i32
        %mul3A_189 = arith.constant 16 : i32
        %mul3A_190 = arith.muli %add3A_188, %mul3A_189 : i32
        %swap3A = arith.index_cast %mul3A_190 : i32 to index
        %swap3A_191 = tpu.vector_load %arg20[%swap3A] {strides = array<i32>} : memref<5120xf32, #tpu.memory_space<vmem>>, vector<16xf32>,
        tpu.vector_store %arg20[%swap3A], %get3A_186 {strides = array<i32>} : memref<5120xf32, #tpu.memory_space<vmem>>, vector<16xf32>,
      }
      %scan3A_133 = arith.constant 80 : i32
      %dma_start3A_134 = arith.constant 80 : i32
      %dma_start3A_135 = tpu.memref_slice %arg12[%dma_start3A_134] : memref<320xi32, #tpu.memory_space<vmem>> -> memref<80xi32, #tpu.memory_space<vmem>>
      %dma_start3A_136 = arith.constant 0 : i32
      %dma_start3A_137 = arith.constant 0 : i32
      %dma_start3A_138 = tpu.memref_slice %arg6[%dma_start3A_136, %dma_start3A_137] : memref<10000x128xf32, #tpu.memory_space<hbm>> -> memref<10000x128xf32, #tpu.memory_space<hbm>>
      tpu.enqueue_indirect_dma source(%dma_start3A_138 : memref<10000x128xf32, #tpu.memory_space<hbm>>) target(%arg19 : memref<80x128xf32, #tpu.memory_space<vmem>>) offsets(%dma_start3A_135 : memref<80xi32, #tpu.memory_space<vmem>>) semaphore(%arg21 : memref<!tpu.dma_semaphore, #tpu.memory_space<semaphore_mem>>)
      %dma_wait3A_139 = arith.constant 80 : i32
      %dma_wait3A_140 = tpu.memref_slice %arg12[%dma_wait3A_139] : memref<320xi32, #tpu.memory_space<vmem>> -> memref<80xi32, #tpu.memory_space<vmem>>
      %dma_wait3A_141 = arith.constant 0 : i32
      %dma_wait3A_142 = arith.constant 0 : i32
      %dma_wait3A_143 = tpu.memref_slice %arg6[%dma_wait3A_141, %dma_wait3A_142] : memref<10000x128xf32, #tpu.memory_space<hbm>> -> memref<10000x128xf32, #tpu.memory_space<hbm>>
      tpu.wait_indirect_dma semaphore(%arg21 : memref<!tpu.dma_semaphore, #tpu.memory_space<semaphore_mem>>) src(%dma_wait3A_143 : memref<10000x128xf32, #tpu.memory_space<hbm>>) dst(%arg19 : memref<80x128xf32, #tpu.memory_space<vmem>>)
      %scan3A_144 = arith.constant 0 : i32
      %scan3A_145 = arith.constant 0 : i32
      %scan3A_146 = arith.constant 80 : i32
      %scan3A_147 = arith.addi %scan3A_145, %scan3A_146 : i32
      %scan3A_148 = arith.constant 1 : i32
      scf.for %scan3A_184 = %scan3A_145 to %scan3A_147 step %scan3A_148  : i32 {
        %get3A = arith.index_cast %scan3A_184 : i32 to index
        %get3A_185 = arith.constant 0 : index
        %get3A_186 = tpu.vector_load %arg19[%get3A, %get3A_185] {strides = array<i32>} : memref<80x128xf32, #tpu.memory_space<vmem>>, vector<16xf32>,
        %add3A_187 = arith.constant 80 : i32
        %add3A_188 = arith.addi %add3A_187, %scan3A_184 : i32
        %mul3A_189 = arith.constant 16 : i32
        %mul3A_190 = arith.muli %add3A_188, %mul3A_189 : i32
        %swap3A = arith.index_cast %mul3A_190 : i32 to index
        %swap3A_191 = tpu.vector_load %arg20[%swap3A] {strides = array<i32>} : memref<5120xf32, #tpu.memory_space<vmem>>, vector<16xf32>,
        tpu.vector_store %arg20[%swap3A], %get3A_186 {strides = array<i32>} : memref<5120xf32, #tpu.memory_space<vmem>>, vector<16xf32>,
      }
      %scan3A_149 = arith.constant 80 : i32
      %dma_start3A_150 = arith.constant 160 : i32
      %dma_start3A_151 = tpu.memref_slice %arg12[%dma_start3A_150] : memref<320xi32, #tpu.memory_space<vmem>> -> memref<80xi32, #tpu.memory_space<vmem>>
      %dma_start3A_152 = arith.constant 0 : i32
      %dma_start3A_153 = arith.constant 0 : i32
      %dma_start3A_154 = tpu.memref_slice %arg6[%dma_start3A_152, %dma_start3A_153] : memref<10000x128xf32, #tpu.memory_space<hbm>> -> memref<10000x128xf32, #tpu.memory_space<hbm>>
      tpu.enqueue_indirect_dma source(%dma_start3A_154 : memref<10000x128xf32, #tpu.memory_space<hbm>>) target(%arg19 : memref<80x128xf32, #tpu.memory_space<vmem>>) offsets(%dma_start3A_151 : memref<80xi32, #tpu.memory_space<vmem>>) semaphore(%arg21 : memref<!tpu.dma_semaphore, #tpu.memory_space<semaphore_mem>>)
      %dma_wait3A_155 = arith.constant 160 : i32
      %dma_wait3A_156 = tpu.memref_slice %arg12[%dma_wait3A_155] : memref<320xi32, #tpu.memory_space<vmem>> -> memref<80xi32, #tpu.memory_space<vmem>>
      %dma_wait3A_157 = arith.constant 0 : i32
      %dma_wait3A_158 = arith.constant 0 : i32
      %dma_wait3A_159 = tpu.memref_slice %arg6[%dma_wait3A_157, %dma_wait3A_158] : memref<10000x128xf32, #tpu.memory_space<hbm>> -> memref<10000x128xf32, #tpu.memory_space<hbm>>
      tpu.wait_indirect_dma semaphore(%arg21 : memref<!tpu.dma_semaphore, #tpu.memory_space<semaphore_mem>>) src(%dma_wait3A_159 : memref<10000x128xf32, #tpu.memory_space<hbm>>) dst(%arg19 : memref<80x128xf32, #tpu.memory_space<vmem>>)
      %scan3A_160 = arith.constant 0 : i32
      %scan3A_161 = arith.constant 0 : i32
      %scan3A_162 = arith.constant 80 : i32
      %scan3A_163 = arith.addi %scan3A_161, %scan3A_162 : i32
      %scan3A_164 = arith.constant 1 : i32
      scf.for %scan3A_184 = %scan3A_161 to %scan3A_163 step %scan3A_164  : i32 {
        %get3A = arith.index_cast %scan3A_184 : i32 to index
        %get3A_185 = arith.constant 0 : index
        %get3A_186 = tpu.vector_load %arg19[%get3A, %get3A_185] {strides = array<i32>} : memref<80x128xf32, #tpu.memory_space<vmem>>, vector<16xf32>,
        %add3A_187 = arith.constant 160 : i32
        %add3A_188 = arith.addi %add3A_187, %scan3A_184 : i32
        %mul3A_189 = arith.constant 16 : i32
        %mul3A_190 = arith.muli %add3A_188, %mul3A_189 : i32
        %swap3A = arith.index_cast %mul3A_190 : i32 to index
        %swap3A_191 = tpu.vector_load %arg20[%swap3A] {strides = array<i32>} : memref<5120xf32, #tpu.memory_space<vmem>>, vector<16xf32>,
        tpu.vector_store %arg20[%swap3A], %get3A_186 {strides = array<i32>} : memref<5120xf32, #tpu.memory_space<vmem>>, vector<16xf32>,
      }
      %scan3A_165 = arith.constant 80 : i32
      %dma_start3A_166 = arith.constant 240 : i32
      %dma_start3A_167 = tpu.memref_slice %arg12[%dma_start3A_166] : memref<320xi32, #tpu.memory_space<vmem>> -> memref<80xi32, #tpu.memory_space<vmem>>
      %dma_start3A_168 = arith.constant 0 : i32
      %dma_start3A_169 = arith.constant 0 : i32
      %dma_start3A_170 = tpu.memref_slice %arg6[%dma_start3A_168, %dma_start3A_169] : memref<10000x128xf32, #tpu.memory_space<hbm>> -> memref<10000x128xf32, #tpu.memory_space<hbm>>
      tpu.enqueue_indirect_dma source(%dma_start3A_170 : memref<10000x128xf32, #tpu.memory_space<hbm>>) target(%arg19 : memref<80x128xf32, #tpu.memory_space<vmem>>) offsets(%dma_start3A_167 : memref<80xi32, #tpu.memory_space<vmem>>) semaphore(%arg21 : memref<!tpu.dma_semaphore, #tpu.memory_space<semaphore_mem>>)
      %dma_wait3A_171 = arith.constant 240 : i32
      %dma_wait3A_172 = tpu.memref_slice %arg12[%dma_wait3A_171] : memref<320xi32, #tpu.memory_space<vmem>> -> memref<80xi32, #tpu.memory_space<vmem>>
      %dma_wait3A_173 = arith.constant 0 : i32
      %dma_wait3A_174 = arith.constant 0 : i32
      %dma_wait3A_175 = tpu.memref_slice %arg6[%dma_wait3A_173, %dma_wait3A_174] : memref<10000x128xf32, #tpu.memory_space<hbm>> -> memref<10000x128xf32, #tpu.memory_space<hbm>>
      tpu.wait_indirect_dma semaphore(%arg21 : memref<!tpu.dma_semaphore, #tpu.memory_space<semaphore_mem>>) src(%dma_wait3A_175 : memref<10000x128xf32, #tpu.memory_space<hbm>>) dst(%arg19 : memref<80x128xf32, #tpu.memory_space<vmem>>)
      %scan3A_176 = arith.constant 0 : i32
      %scan3A_177 = arith.constant 0 : i32
      %scan3A_178 = arith.constant 80 : i32
      %scan3A_179 = arith.addi %scan3A_177, %scan3A_178 : i32
      %scan3A_180 = arith.constant 1 : i32
      scf.for %scan3A_184 = %scan3A_177 to %scan3A_179 step %scan3A_180  : i32 {
        %get3A = arith.index_cast %scan3A_184 : i32 to index
        %get3A_185 = arith.constant 0 : index
        %get3A_186 = tpu.vector_load %arg19[%get3A, %get3A_185] {strides = array<i32>} : memref<80x128xf32, #tpu.memory_space<vmem>>, vector<16xf32>,
        %add3A_187 = arith.constant 240 : i32
        %add3A_188 = arith.addi %add3A_187, %scan3A_184 : i32
        %mul3A_189 = arith.constant 16 : i32
        %mul3A_190 = arith.muli %add3A_188, %mul3A_189 : i32
        %swap3A = arith.index_cast %mul3A_190 : i32 to index
        %swap3A_191 = tpu.vector_load %arg20[%swap3A] {strides = array<i32>} : memref<5120xf32, #tpu.memory_space<vmem>>, vector<16xf32>,
        tpu.vector_store %arg20[%swap3A], %get3A_186 {strides = array<i32>} : memref<5120xf32, #tpu.memory_space<vmem>>, vector<16xf32>,
      }
      %scan3A_181 = arith.constant 80 : i32
      %mul3A_182 = arith.constant 16 : i32
      %mul3A_183 = arith.muli %mul3A_0, %mul3A_182 : i32
      "tpu.region"() ({
        %run_scoped3A = tpu.sem_alloc : memref<!tpu.dma_semaphore, #tpu.memory_space<semaphore_mem>>
        %dma_start3A_184 = tpu.memref_slice %arg9[%mul3A_183] : memref<81920xf32, #tpu.memory_space<hbm>> -> memref<5120xf32, #tpu.memory_space<hbm>>
        %dma_start3A_185 = tpu.memref_slice %arg9[%mul3A_183] : memref<81920xf32, #tpu.memory_space<hbm>> -> memref<5120xf32, #tpu.memory_space<hbm>>
        tpu.enqueue_dma source(%arg20 : memref<5120xf32, #tpu.memory_space<vmem>>) target(%dma_start3A_185 : memref<5120xf32, #tpu.memory_space<hbm>>) target_semaphore(%run_scoped3A : memref<!tpu.dma_semaphore, #tpu.memory_space<semaphore_mem>>)
        %dma_wait3A_186 = tpu.memref_slice %arg9[%mul3A_183] : memref<81920xf32, #tpu.memory_space<hbm>> -> memref<5120xf32, #tpu.memory_space<hbm>>
        %dma_wait3A_187 = tpu.memref_slice %arg9[%mul3A_183] : memref<81920xf32, #tpu.memory_space<hbm>> -> memref<5120xf32, #tpu.memory_space<hbm>>
        tpu.wait_dma2 semaphore(%run_scoped3A : memref<!tpu.dma_semaphore, #tpu.memory_space<semaphore_mem>>) src(%arg20 : memref<5120xf32, #tpu.memory_space<vmem>>) dst(%dma_wait3A_187 : memref<5120xf32, #tpu.memory_space<hbm>>)
        tpu.yield
      }) : () -> ()
      "tpu.region"() ({
        %run_scoped3A = tpu.sem_alloc : memref<!tpu.dma_semaphore, #tpu.memory_space<semaphore_mem>>
        %dma_start3A_184 = arith.constant 0 : i32
        %dma_start3A_185 = tpu.memref_slice %arg7[%mul3A_0, %dma_start3A_184] : memref<5120x128xf32, #tpu.memory_space<hbm>> -> memref<320x128xf32, #tpu.memory_space<hbm>>
        %dma_start3A_186 = arith.constant 0 : i32
        %dma_start3A_187 = tpu.memref_slice %arg7[%mul3A_0, %dma_start3A_186] : memref<5120x128xf32, #tpu.memory_space<hbm>> -> memref<320x128xf32, #tpu.memory_space<hbm>>
        tpu.enqueue_dma source(%arg13 : memref<320x128xf32, #tpu.memory_space<vmem>>) target(%dma_start3A_187 : memref<320x128xf32, #tpu.memory_space<hbm>>) target_semaphore(%run_scoped3A : memref<!tpu.dma_semaphore, #tpu.memory_space<semaphore_mem>>)
        %dma_wait3A_188 = arith.constant 0 : i32
        %dma_wait3A_189 = tpu.memref_slice %arg7[%mul3A_0, %dma_wait3A_188] : memref<5120x128xf32, #tpu.memory_space<hbm>> -> memref<320x128xf32, #tpu.memory_space<hbm>>
        %dma_wait3A_190 = arith.constant 0 : i32
        %dma_wait3A_191 = tpu.memref_slice %arg7[%mul3A_0, %dma_wait3A_190] : memref<5120x128xf32, #tpu.memory_space<hbm>> -> memref<320x128xf32, #tpu.memory_space<hbm>>
        tpu.wait_dma2 semaphore(%run_scoped3A : memref<!tpu.dma_semaphore, #tpu.memory_space<semaphore_mem>>) src(%arg13 : memref<320x128xf32, #tpu.memory_space<vmem>>) dst(%dma_wait3A_191 : memref<320x128xf32, #tpu.memory_space<hbm>>)
        tpu.yield
      }) : () -> ()
    } else {
    }
    %eq3A_113 = arith.constant 1 : i32
    %eq3A_114 = arith.cmpi eq, %arg0, %eq3A_113 : i32
    %convert_element_type3A_115 = arith.extui %eq3A_114 : i1 to i32
    %cond3A_116 = arith.constant 0 : i32
    %cond3A_117 = arith.cmpi ne, %convert_element_type3A_115, %cond3A_116 : i32
    scf.if %cond3A_117 {
      "tpu.region"() ({
        %run_scoped3A = tpu.sem_alloc : memref<!tpu.dma_semaphore, #tpu.memory_space<semaphore_mem>>
        %dma_start3A_118 = arith.constant 0 : i32
        %dma_start3A_119 = tpu.memref_slice %arg8[%mul3A_0, %dma_start3A_118] : memref<5120x128xf32, #tpu.memory_space<hbm>> -> memref<320x128xf32, #tpu.memory_space<hbm>>
        %dma_start3A_120 = arith.constant 0 : i32
        %dma_start3A_121 = tpu.memref_slice %arg8[%mul3A_0, %dma_start3A_120] : memref<5120x128xf32, #tpu.memory_space<hbm>> -> memref<320x128xf32, #tpu.memory_space<hbm>>
        tpu.enqueue_dma source(%arg13 : memref<320x128xf32, #tpu.memory_space<vmem>>) target(%dma_start3A_121 : memref<320x128xf32, #tpu.memory_space<hbm>>) target_semaphore(%run_scoped3A : memref<!tpu.dma_semaphore, #tpu.memory_space<semaphore_mem>>)
        %dma_wait3A_122 = arith.constant 0 : i32
        %dma_wait3A_123 = tpu.memref_slice %arg8[%mul3A_0, %dma_wait3A_122] : memref<5120x128xf32, #tpu.memory_space<hbm>> -> memref<320x128xf32, #tpu.memory_space<hbm>>
        %dma_wait3A_124 = arith.constant 0 : i32
        %dma_wait3A_125 = tpu.memref_slice %arg8[%mul3A_0, %dma_wait3A_124] : memref<5120x128xf32, #tpu.memory_space<hbm>> -> memref<320x128xf32, #tpu.memory_space<hbm>>
        tpu.wait_dma2 semaphore(%run_scoped3A : memref<!tpu.dma_semaphore, #tpu.memory_space<semaphore_mem>>) src(%arg13 : memref<320x128xf32, #tpu.memory_space<vmem>>) dst(%dma_wait3A_125 : memref<320x128xf32, #tpu.memory_space<hbm>>)
        tpu.yield
      }) : () -> ()
    } else {
    }
    return
  }
}

module attributes {stable_mosaic.version = 14 : i64} {
  func.func @_tc_body(%arg0: memref<10000x128xf32, #tpu.memory_space<vmem>>, %arg1: memref<79x128xf32, #tpu.memory_space<vmem>>, %arg2: memref<79x128xf32, #tpu.memory_space<vmem>>, %arg3: memref<79x128xf32, #tpu.memory_space<vmem>>, %arg4: memref<30000xf32, #tpu.memory_space<smem>>, %arg5: memref<79x128xf32, #tpu.memory_space<vmem>>, %arg6: memref<128x128xf32, #tpu.memory_space<vmem>>, %arg7: memref<1x128xf32, #tpu.memory_space<vmem>>, %arg8: memref<1x128xf32, #tpu.memory_space<vmem>>, %arg9: memref<1x128xf32, #tpu.memory_space<vmem>>, %arg10: memref<10000x128xf32, #tpu.memory_space<vmem>>, %arg11: memref<5120x1xi32, #tpu.memory_space<vmem>>) attributes {dimension_semantics = [], scalar_prefetch = 0 : i64, scratch_operands = 0 : i64, tpu.core_type = #tpu.core_type<tc>} {
    %get3A = arith.constant 0 : index
    %get3A_0 = arith.constant 0 : index
    %get3A_1 = vector.load %arg0[%get3A, %get3A_0] : memref<10000x128xf32, #tpu.memory_space<vmem>>, vector<10000x128xf32>
    %get3A_2 = arith.constant 0 : index
    %get3A_3 = arith.constant 0 : index
    %get3A_4 = vector.load %arg6[%get3A_2, %get3A_3] : memref<128x128xf32, #tpu.memory_space<vmem>>, vector<128x128xf32>
    %dot_general3A = arith.constant dense<0.000000e+00> : vector<10000x128xf32>
    %dot_general3A_5 = tpu.matmul %get3A_1, %get3A_4, %dot_general3A {dimension_numbers = #tpu.dot_dimension_numbers<[1], [0], [0], [1], [0, 0, 1, 1], [], []>, transpose_lhs_hint = false} : vector<10000x128xf32>, vector<128x128xf32>, vector<10000x128xf32> -> vector<10000x128xf32>
    %get3A_6 = arith.constant 0 : index
    %get3A_7 = arith.constant 0 : index
    %get3A_8 = vector.load %arg7[%get3A_6, %get3A_7] : memref<1x128xf32, #tpu.memory_space<vmem>>, vector<1x128xf32>
    %add3A = vector.broadcast %get3A_8 : vector<1x128xf32> to vector<10000x128xf32>
    %add3A_9 = arith.addf %dot_general3A_5, %add3A : vector<10000x128xf32>
    %reduce_sum3A = arith.constant dense<0.000000e+00> : vector<128xf32>
    %reduce_sum3A_10 = vector.multi_reduction <add>, %add3A_9, %reduce_sum3A [0] : vector<10000x128xf32> to vector<128xf32>
    %broadcast_in_dim3A = vector.shape_cast %reduce_sum3A_10 : vector<128xf32> to vector<1x128xf32>
    %div3A = arith.constant 1.000000e+04 : f32
    %div3A_11 = vector.broadcast %div3A : f32 to vector<1x128xf32>
    %div3A_12 = arith.divf %broadcast_in_dim3A, %div3A_11 : vector<1x128xf32>
    %sub3A = vector.broadcast %div3A_12 : vector<1x128xf32> to vector<10000x128xf32>
    %sub3A_13 = arith.subf %add3A_9, %sub3A : vector<10000x128xf32>
    %mul3A = arith.mulf %sub3A_13, %sub3A_13 : vector<10000x128xf32>
    %reduce_sum3A_14 = arith.constant dense<0.000000e+00> : vector<128xf32>
    %reduce_sum3A_15 = vector.multi_reduction <add>, %mul3A, %reduce_sum3A_14 [0] : vector<10000x128xf32> to vector<128xf32>
    %broadcast_in_dim3A_16 = vector.shape_cast %reduce_sum3A_15 : vector<128xf32> to vector<1x128xf32>
    %div3A_17 = arith.constant 1.000000e+04 : f32
    %div3A_18 = vector.broadcast %div3A_17 : f32 to vector<1x128xf32>
    %div3A_19 = arith.divf %broadcast_in_dim3A_16, %div3A_18 : vector<1x128xf32>
    %add3A_20 = arith.constant 9.99999974E-6 : f32
    %add3A_21 = vector.broadcast %add3A_20 : f32 to vector<1x128xf32>
    %add3A_22 = arith.addf %div3A_19, %add3A_21 : vector<1x128xf32>
    %sqrt3A = math.sqrt %add3A_22 : vector<1x128xf32>
    %div3A_23 = vector.broadcast %sqrt3A : vector<1x128xf32> to vector<10000x128xf32>
    %div3A_24 = arith.divf %sub3A_13, %div3A_23 : vector<10000x128xf32>
    %get3A_25 = arith.constant 0 : index
    %get3A_26 = arith.constant 0 : index
    %get3A_27 = vector.load %arg8[%get3A_25, %get3A_26] : memref<1x128xf32, #tpu.memory_space<vmem>>, vector<1x128xf32>
    %mul3A_28 = vector.broadcast %get3A_27 : vector<1x128xf32> to vector<10000x128xf32>
    %mul3A_29 = arith.mulf %div3A_24, %mul3A_28 : vector<10000x128xf32>
    %get3A_30 = arith.constant 0 : index
    %get3A_31 = arith.constant 0 : index
    %get3A_32 = vector.load %arg9[%get3A_30, %get3A_31] : memref<1x128xf32, #tpu.memory_space<vmem>>, vector<1x128xf32>
    %add3A_33 = vector.broadcast %get3A_32 : vector<1x128xf32> to vector<10000x128xf32>
    %add3A_34 = arith.addf %mul3A_29, %add3A_33 : vector<10000x128xf32>
    %max3A = arith.constant 0.000000e+00 : f32
    %max3A_35 = vector.broadcast %max3A : f32 to vector<10000x128xf32>
    %max3A_36 = arith.maximumf %add3A_34, %max3A_35 : vector<10000x128xf32>
    %swap3A = arith.constant 0 : index
    %swap3A_37 = arith.constant 0 : index
    %swap3A_38 = vector.load %arg10[%swap3A, %swap3A_37] : memref<10000x128xf32, #tpu.memory_space<vmem>>, vector<10000x128xf32>
    tpu.vector_store %arg10[%swap3A, %swap3A_37], %max3A_36 {strides = array<i32>} : memref<10000x128xf32, #tpu.memory_space<vmem>>, vector<10000x128xf32>,
    %broadcast_in_dim3A_39 = arith.constant 0 : i32
    %broadcast_in_dim3A_40 = vector.broadcast %broadcast_in_dim3A_39 : i32 to vector<5120x1xi32>
    %swap3A_41 = arith.constant 0 : index
    %swap3A_42 = arith.constant 0 : index
    %swap3A_43 = vector.load %arg11[%swap3A_41, %swap3A_42] : memref<5120x1xi32, #tpu.memory_space<vmem>>, vector<5120x1xi32>
    tpu.vector_store %arg11[%swap3A_41, %swap3A_42], %broadcast_in_dim3A_40 {strides = array<i32>} : memref<5120x1xi32, #tpu.memory_space<vmem>>, vector<5120x1xi32>,
    %get3A_44 = arith.constant 0 : index
    %get3A_45 = arith.constant 0 : index
    %get3A_46 = vector.load %arg1[%get3A_44, %get3A_45] : memref<79x128xf32, #tpu.memory_space<vmem>>, vector<79x128xf32>
    %get3A_47 = arith.constant 0 : index
    %get3A_48 = arith.constant 0 : index
    %get3A_49 = vector.load %arg2[%get3A_47, %get3A_48] : memref<79x128xf32, #tpu.memory_space<vmem>>, vector<79x128xf32>
    %get3A_50 = arith.constant 0 : index
    %get3A_51 = arith.constant 0 : index
    %get3A_52 = vector.load %arg3[%get3A_50, %get3A_51] : memref<79x128xf32, #tpu.memory_space<vmem>>, vector<79x128xf32>
    %get3A_53 = arith.constant 0 : index
    %get3A_54 = arith.constant 0 : index
    %get3A_55 = vector.load %arg5[%get3A_53, %get3A_54] : memref<79x128xf32, #tpu.memory_space<vmem>>, vector<79x128xf32>
    %lt3A = arith.constant 1.000000e+04 : f32
    %lt3A_56 = vector.broadcast %lt3A : f32 to vector<79x128xf32>
    %lt3A_57 = arith.cmpf olt, %get3A_55, %lt3A_56 : vector<79x128xf32>
    %get3A_58 = arith.constant 0 : index
    %get3A_59 = memref.load %arg4[%get3A_58] : memref<30000xf32, #tpu.memory_space<smem>>
    %get3A_60 = arith.constant 1 : index
    %get3A_61 = memref.load %arg4[%get3A_60] : memref<30000xf32, #tpu.memory_space<smem>>
    %get3A_62 = arith.constant 2 : index
    %get3A_63 = memref.load %arg4[%get3A_62] : memref<30000xf32, #tpu.memory_space<smem>>
    %sub3A_64 = vector.broadcast %get3A_59 : f32 to vector<79x128xf32>
    %sub3A_65 = arith.subf %get3A_46, %sub3A_64 : vector<79x128xf32>
    %sub3A_66 = vector.broadcast %get3A_61 : f32 to vector<79x128xf32>
    %sub3A_67 = arith.subf %get3A_49, %sub3A_66 : vector<79x128xf32>
    %sub3A_68 = vector.broadcast %get3A_63 : f32 to vector<79x128xf32>
    %sub3A_69 = arith.subf %get3A_52, %sub3A_68 : vector<79x128xf32>
    %mul3A_70 = arith.mulf %sub3A_65, %sub3A_65 : vector<79x128xf32>
    %mul3A_71 = arith.mulf %sub3A_67, %sub3A_67 : vector<79x128xf32>
    %add3A_72 = arith.addf %mul3A_70, %mul3A_71 : vector<79x128xf32>
    %mul3A_73 = arith.mulf %sub3A_69, %sub3A_69 : vector<79x128xf32>
    %add3A_74 = arith.addf %add3A_72, %mul3A_73 : vector<79x128xf32>
    %jit3A = arith.constant -1.000000e+00 : f32
    %broadcast_in_dim3A_75 = vector.broadcast %jit3A : f32 to vector<79x128xf32>
    %select_n3A = arith.select %lt3A_57, %add3A_74, %broadcast_in_dim3A_75 : vector<79x128xi1>, vector<79x128xf32>
    %scan3A = arith.constant 1 : i32
    %scan3A_76 = arith.constant 4999 : i32
    %scan3A_77 = arith.addi %scan3A, %scan3A_76 : i32
    %scan3A_78 = arith.constant 1 : i32
    %scan3A_79 = scf.for %scan3A_81 = %scan3A to %scan3A_77 step %scan3A_78 iter_args(%scan3A_82 = %select_n3A) -> (vector<79x128xf32>)  : i32 {
      %reduce_max3A = vector.shape_cast %scan3A_82 : vector<79x128xf32> to vector<1x79x128xf32>
      %reduce_max3A_83 = arith.constant dense<0xFF800000> : vector<1xf32>
      %reduce_max3A_84 = vector.multi_reduction <maximumf>, %reduce_max3A, %reduce_max3A_83 [1, 2] : vector<1x79x128xf32> to vector<1xf32>
      %reduce_max3A_85 = vector.shape_cast %reduce_max3A_84 : vector<1xf32> to vector<1x1x1xf32>
      %reduce_max3A_86 = vector.extract %reduce_max3A_85[0, 0, 0] : f32 from vector<1x1x1xf32>
      %broadcast_in_dim3A_87 = vector.broadcast %reduce_max3A_86 : f32 to vector<1x1xf32>
      %eq3A = vector.broadcast %broadcast_in_dim3A_87 : vector<1x1xf32> to vector<79x128xf32>
      %eq3A_88 = arith.cmpf oeq, %scan3A_82, %eq3A : vector<79x128xf32>
      %get3A_89 = arith.constant 0 : index
      %get3A_90 = arith.constant 0 : index
      %get3A_91 = vector.load %arg5[%get3A_89, %get3A_90] : memref<79x128xf32, #tpu.memory_space<vmem>>, vector<79x128xf32>
      %jit3A_92 = arith.constant 3.000000e+09 : f32
      %broadcast_in_dim3A_93 = vector.broadcast %jit3A_92 : f32 to vector<79x128xf32>
      %select_n3A_94 = arith.select %eq3A_88, %get3A_91, %broadcast_in_dim3A_93 : vector<79x128xi1>, vector<79x128xf32>
      %reduce_min3A = vector.shape_cast %select_n3A_94 : vector<79x128xf32> to vector<1x79x128xf32>
      %reduce_min3A_95 = arith.constant dense<0x7F800000> : vector<1xf32>
      %reduce_min3A_96 = vector.multi_reduction <minimumf>, %reduce_min3A, %reduce_min3A_95 [1, 2] : vector<1x79x128xf32> to vector<1xf32>
      %reduce_min3A_97 = vector.shape_cast %reduce_min3A_96 : vector<1xf32> to vector<1x1x1xf32>
      %reduce_min3A_98 = vector.extract %reduce_min3A_97[0, 0, 0] : f32 from vector<1x1x1xf32>
      %convert_element_type3A = arith.fptosi %reduce_min3A_98 : f32 to i32
      %reshape3A = vector.broadcast %convert_element_type3A : i32 to vector<1x1xi32>
      %swap3A_99 = arith.index_cast %scan3A_81 : i32 to index
      %swap3A_100 = arith.constant 0 : index
      %swap3A_101 = vector.load %arg11[%swap3A_99, %swap3A_100] : memref<5120x1xi32, #tpu.memory_space<vmem>>, vector<1x1xi32>
      tpu.vector_store %arg11[%swap3A_99, %swap3A_100], %reshape3A {strides = array<i32>} : memref<5120x1xi32, #tpu.memory_space<vmem>>, vector<1x1xi32>,
      %mul3A_102 = arith.constant 3 : i32
      %mul3A_103 = arith.muli %convert_element_type3A, %mul3A_102 : i32
      %get3A_104 = arith.index_cast %mul3A_103 : i32 to index
      %get3A_105 = memref.load %arg4[%get3A_104] : memref<30000xf32, #tpu.memory_space<smem>>
      %add3A_106 = arith.constant 1 : i32
      %add3A_107 = arith.addi %mul3A_103, %add3A_106 : i32
      %get3A_108 = arith.index_cast %add3A_107 : i32 to index
      %get3A_109 = memref.load %arg4[%get3A_108] : memref<30000xf32, #tpu.memory_space<smem>>
      %add3A_110 = arith.constant 2 : i32
      %add3A_111 = arith.addi %mul3A_103, %add3A_110 : i32
      %get3A_112 = arith.index_cast %add3A_111 : i32 to index
      %get3A_113 = memref.load %arg4[%get3A_112] : memref<30000xf32, #tpu.memory_space<smem>>
      %get3A_114 = arith.constant 0 : index
      %get3A_115 = arith.constant 0 : index
      %get3A_116 = vector.load %arg1[%get3A_114, %get3A_115] : memref<79x128xf32, #tpu.memory_space<vmem>>, vector<79x128xf32>
      %sub3A_117 = vector.broadcast %get3A_105 : f32 to vector<79x128xf32>
      %sub3A_118 = arith.subf %get3A_116, %sub3A_117 : vector<79x128xf32>
      %get3A_119 = arith.constant 0 : index
      %get3A_120 = arith.constant 0 : index
      %get3A_121 = vector.load %arg2[%get3A_119, %get3A_120] : memref<79x128xf32, #tpu.memory_space<vmem>>, vector<79x128xf32>
      %sub3A_122 = vector.broadcast %get3A_109 : f32 to vector<79x128xf32>
      %sub3A_123 = arith.subf %get3A_121, %sub3A_122 : vector<79x128xf32>
      %get3A_124 = arith.constant 0 : index
      %get3A_125 = arith.constant 0 : index
      %get3A_126 = vector.load %arg3[%get3A_124, %get3A_125] : memref<79x128xf32, #tpu.memory_space<vmem>>, vector<79x128xf32>
      %sub3A_127 = vector.broadcast %get3A_113 : f32 to vector<79x128xf32>
      %sub3A_128 = arith.subf %get3A_126, %sub3A_127 : vector<79x128xf32>
      %mul3A_129 = arith.mulf %sub3A_118, %sub3A_118 : vector<79x128xf32>
      %mul3A_130 = arith.mulf %sub3A_123, %sub3A_123 : vector<79x128xf32>
      %add3A_131 = arith.addf %mul3A_129, %mul3A_130 : vector<79x128xf32>
      %mul3A_132 = arith.mulf %sub3A_128, %sub3A_128 : vector<79x128xf32>
      %add3A_133 = arith.addf %add3A_131, %mul3A_132 : vector<79x128xf32>
      %min3A = arith.minimumf %scan3A_82, %add3A_133 : vector<79x128xf32>
      scf.yield %min3A : vector<79x128xf32>
    }
    %scan3A_80 = arith.constant 4999 : i32
    return
  }
}

module attributes {stable_mosaic.version = 14 : i64} {
  func.func @_merge_body(%arg0: memref<5120x128xf32, #tpu.memory_space<vmem>>, %arg1: memref<5120x128xf32, #tpu.memory_space<vmem>>, %arg2: memref<5120x128xf32, #tpu.memory_space<vmem>>) attributes {dimension_semantics = [], scalar_prefetch = 0 : i64, scratch_operands = 0 : i64, tpu.core_type = #tpu.core_type<tc>} {
    %get3A = arith.constant 0 : index
    %get3A_0 = arith.constant 0 : index
    %get3A_1 = vector.load %arg0[%get3A, %get3A_0] : memref<5120x128xf32, #tpu.memory_space<vmem>>, vector<5120x128xf32>
    %get3A_2 = arith.constant 0 : index
    %get3A_3 = arith.constant 0 : index
    %get3A_4 = vector.load %arg1[%get3A_2, %get3A_3] : memref<5120x128xf32, #tpu.memory_space<vmem>>, vector<5120x128xf32>
    %max3A = arith.maximumf %get3A_1, %get3A_4 : vector<5120x128xf32>
    %swap3A = arith.constant 0 : index
    %swap3A_5 = arith.constant 0 : index
    %swap3A_6 = vector.load %arg2[%swap3A, %swap3A_5] : memref<5120x128xf32, #tpu.memory_space<vmem>>, vector<5120x128xf32>
    tpu.vector_store %arg2[%swap3A, %swap3A_5], %max3A {strides = array<i32>} : memref<5120x128xf32, #tpu.memory_space<vmem>>, vector<5120x128xf32>,
    return
  }
}

</mosaic_0001>

<sc_bundles>
// kernel: kernel.5.cloned.1.call-start
scs
__scs_entry_jumppad:
0x0: {  	(pc) =	sbr.rel $0x88, $3  }
0x1: {  	(tag) =	ssettag $0x0;
	lr =	simm.s32 $0x1  }
0x2: {  	[smem:$0x3F99] =	sst lr;
	_ =	strace $0xD0000000  }
0x3: {  	_ = 	snop  }
0x4: {  	_ = 	snop  }
0x5: {  	_ = 	snop  }
0x6: {  	_ = 	snop  }
0x7: {  	_ = 	snop  }
__scs_overlays_trampoline_lowered:
0x8: {  	[smem:$0x3FA8] =	sst s0  }
0x9: {  	[smem:$0x3FA9] =	sst s1  }
0xa: {  	[smem:$0x3FAA] =	sst s2  }
0xb: {  	[smem:$0x3FAB] =	sst s3  }
0xc: {  	[smem:$0x3FAC] =	sst s4  }
0xd: {  	[smem:$0x3FAD] =	sst s5  }
0xe: {  	[smem:$0x3FAE] =	sst s6  }
0xf: {  	[smem:$0x3FAF] =	sst s7  }
0x10: {  	[smem:$0x3FB0] =	sst s8  }
0x11: {  	[smem:$0x3FB1] =	sst s9;
	s0 =	simm.s32 @!p0 $0x0  }
0x12: {  	s1 =	sld [smem:$0x3F97];
	s0 =	simm.s32 @p0 $0x1  }
0x13: {  	[smem:$0x3FB2] =	sst s0;
	s0 =	simm.s32 @!p1 $0x0  }
0x14: {  	s2 =	sld [smem:$0x3F96];
	s0 =	simm.s32 @p1 $0x1  }
0x15: {  	[smem:$0x3FB3] =	sst s0;
	s0 =	simm.s32 @!p2 $0x0  }
0x16: {  	s3 =	sld [smem:$0x3FDB];
	s0 =	simm.s32 @p2 $0x1  }
0x17: {  	s4 =	simm.s32 $0x1BF5;
	[smem:$0x3FB5] =	sst s0  }
0x18: {  	s0 =	sld [smem:$0x3F98];
	_ =	swait.ge [sflag:s4], $0x0  }
0x19: {  	s7 =	sld [smem:$0x3F99]  }
0x1a: {  	s8 =	sadd.s32 $0xFFFFE003, lr  }
0x1b: {  	s9 =	sadd.s32 $0xFFFFFEF7, lr;
	s5 =	simm.s32 $0xFFFFFFFF;
	p2 =	slt.u32 s8, $0xFFFFF086  }
0x1c: {  	p1 =	slt.u32 s9, $0xF7A;
	s5 =	simm.s32 @!p2 $0x0  }
0x1d: {  	s5 =	simm.s32 @p1 $0x1;
	p0 =	seq.s32 s7, s2  }
0x1e: {  	s7 =	smul.u32 @!p0 $0xF7A, s2;
	p2 =	seq.s32 @!p0 s5, $0x0  }
0x1f: {  	s9 =	smul.u32 $0xF7A, s1;
	s8 =	simm.s32 @!p0 $0x1BF5;
	p2 =	por !p2, p0  }
0x20: {  	[sflag:s8] =	ssyncset.s32 @!p0 $0xFFFFF086;
	s6 =	sadd.s32 @!p0 s3, s7;
	s7 =	simm.s32 @!p0 $0x108  }
0x21: {  	s3 =	sadd.s32 s3, s9;
	s6 =	sadd.s32 @!p0 $0x88, s6;
	s7 =	simm.s32 @p2 $0x1082  }
0x22: {  	[simem:s7], [sflag:s8] =	dma.local @!p0 [hbm:s6], $0xF7A  }
0x23: {  	s9 =	sor.u32 $0xD0000000, s2;
	s6 =	simm.s32 $0x108;
	_ =	swait.ge @!p0 [sflag:s8], $0x0  }
0x24: {  	s3 =	sadd.s32 $0x88, s3;
	s6 =	simm.s32 @!p1 $0x1082;
	[sflag:s4] =	ssyncset.s32 $0xFFFFF086  }
0x25: {  	[simem:s6], [sflag:s4] =	dma.local [hbm:s3], $0xF7A  }
0x26: {  	[smem:$0x3F99] =	sst s1;
	(tag) =	ssettag s2;
	_ =	strace s9  }
0x27: {  	s1 =	sld [smem:$0x3FA9]  }
0x28: {  	s2 =	sld [smem:$0x3FAA]  }
0x29: {  	s4 =	sld [smem:$0x3FAC]  }
0x2a: {  	p0 =	seq.s32 s5, $0x0;
	s5 =	sld [smem:$0x3FAD]  }
0x2b: {  	s6 =	sld [smem:$0x3FAE]  }
0x2c: {  	s7 =	sld [smem:$0x3FAF]  }
0x2d: {  	s3 =	simm.s32 $0x108;
	s8 =	sld [smem:$0x3FB0]  }
0x2e: {  	s3 =	simm.s32 @!p0 $0x1082;
	s9 =	sld [smem:$0x3FB1]  }
0x2f: {  	lr =	sadd.s32 s0, s3;
	s0 =	sld [smem:$0x3FA8]  }
0x30: {  	s3 =	sld [smem:$0x3FAB]  }
0x31: {  	[smem:$0x3FB4] =	sst s10  }
0x32: {  	s10 =	sld [smem:$0x3FB2];
	_ =	sdelay $0x3  }
0x33: {  	p0 =	seq.s32 s10, $0x1;
	s10 =	sld [smem:$0x3FB4];
	_ =	sdelay $0x3  }
0x34: {  	[smem:$0x3FB4] =	sst s10  }
0x35: {  	s10 =	sld [smem:$0x3FB3];
	_ =	sdelay $0x3  }
0x36: {  	p1 =	seq.s32 s10, $0x1;
	s10 =	sld [smem:$0x3FB4];
	_ =	sdelay $0x3  }
0x37: {  	[smem:$0x3FB4] =	sst s10  }
0x38: {  	s10 =	sld [smem:$0x3FB5]  }
0x39: {  	_ = 	snop;
	(pc) =	sbr.ind lr, $3  }
0x3a: {  	_ = 	snop  }
0x3b: {  	_ = 	snop  }
0x3c: {  	p2 =	seq.s32 s10, $0x1;
	s10 =	sld [smem:$0x3FB4]  }
0x3d: {  	_ =	shalt  }
0x3e: {  	_ =	shalt  }
0x3f: {  	_ =	shalt  }
0x40: {  	_ =	shalt  }
0x41: {  	_ =	shalt  }
0x42: {  	_ =	shalt  }
0x43: {  	_ =	shalt  }
0x44: {  	_ =	shalt  }
0x45: {  	_ =	shalt  }
0x46: {  	_ =	shalt  }
0x47: {  	_ =	shalt  }
0x48: {  	_ =	shalt  }
0x49: {  	_ =	shalt  }
0x4a: {  	_ =	shalt  }
0x4b: {  	_ =	shalt  }
0x4c: {  	_ =	shalt  }
0x4d: {  	_ =	shalt  }
0x4e: {  	_ =	shalt  }
0x4f: {  	_ =	shalt  }
0x50: {  	_ =	shalt  }
0x51: {  	_ =	shalt  }
0x52: {  	_ =	shalt  }
0x53: {  	_ =	shalt  }
0x54: {  	_ =	shalt  }
0x55: {  	_ =	shalt  }
0x56: {  	_ =	shalt  }
0x57: {  	_ =	shalt  }
0x58: {  	_ =	shalt  }
0x59: {  	_ =	shalt  }
0x5a: {  	_ =	shalt  }
0x5b: {  	_ =	shalt  }
0x5c: {  	_ =	shalt  }
0x5d: {  	_ =	shalt  }
0x5e: {  	_ =	shalt  }
0x5f: {  	_ =	shalt  }
0x60: {  	_ =	shalt  }
0x61: {  	_ =	shalt  }
0x62: {  	_ =	shalt  }
0x63: {  	_ =	shalt  }
0x64: {  	_ =	shalt  }
0x65: {  	_ =	shalt  }
0x66: {  	_ =	shalt  }
0x67: {  	_ =	shalt  }
0x68: {  	_ =	shalt  }
0x69: {  	_ =	shalt  }
0x6a: {  	_ =	shalt  }
0x6b: {  	_ =	shalt  }
0x6c: {  	_ =	shalt  }
0x6d: {  	_ =	shalt  }
0x6e: {  	_ =	shalt  }
0x6f: {  	_ =	shalt  }
0x70: {  	_ =	shalt  }
0x71: {  	_ =	shalt  }
0x72: {  	_ =	shalt  }
0x73: {  	_ =	shalt  }
0x74: {  	_ =	shalt  }
0x75: {  	_ =	shalt  }
0x76: {  	_ =	shalt  }
0x77: {  	_ =	shalt  }
0x78: {  	_ =	shalt  }
0x79: {  	_ =	shalt  }
0x7a: {  	_ =	shalt  }
0x7b: {  	_ =	shalt  }
0x7c: {  	_ =	shalt  }
0x7d: {  	_ =	shalt  }
0x7e: {  	_ =	shalt  }
0x7f: {  	_ =	shalt  }
0x80: {  	_ =	shalt  }
0x81: {  	_ =	shalt  }
0x82: {  	_ =	shalt  }
0x83: {  	_ =	shalt  }
0x84: {  	_ =	shalt  }
0x85: {  	_ =	shalt  }
0x86: {  	_ =	shalt  }
0x87: {  	_ =	shalt  }
.Lfunc_end0:
.L_simem_size_0:
called_computation_lowered:
.L_overlay_start_0:
0x88: {  	s2 =	sld [smem:$0x3FD9]  }
0x89: {  	s3 =	sld [smem:$0x3FFE];
	_ =	sdelay $0x1  }
0x8a: {  	s1 =	srdreg.scid  }
0x8b: {  	s0 =	sand.u32 $0x1, s1  }
0x8c: {  	s14 =	sshll.u32 s0, $0xA;
	s2 =	sadd.s32 s3, s2  }
0x8d: {  	s2 =	sadd.s32 s2, s14  }
0x8e: {  	[smem:$0x3FC0] =	sst s2  }
0x8f: {  	_ = 	snop  }
0x90: {  	s2 =	sld [smem:$0x3FD0];
	_ =	sdelay $0x2  }
0x91: {  	s15 =	simm.s32 $0xA;
	s4 =	simm.s32 $0x10  }
0x92: {  	[smem:s4], [sflag:s15] =	dma.local [hbm:s2], $0x1  }
0x93: {  	_ =	swait.eq [sflag:s15], $0x1  }
0x94: {  	[sflag:s15] =	ssyncset.done $0x0  }
0x95: {  	s16 =	sld [smem:$0x10];
	[sflag:s15] =	ssyncadd.s32 $0xFFFFFFFF  }
0x96: {  	s17 =	sld [smem:$0x12];
	(tm) =	ssettm $0x1  }
0x97: {  	s18 =	sld [smem:$0x3FFB];
	_ =	sdelay $0x3  }
0x98: {  	_ =	strace s18  }
0x99: {  	s4 =	sld [smem:$0x3FFC];
	_ =	sdelay $0x3  }
0x9a: {  	_ =	strace s4  }
0x9b: {  	s4 =	sld [smem:$0x3FFD];
	_ =	sdelay $0x3  }
0x9c: {  	_ =	strace s4  }
0x9d: {  	_ =	strace $0x8FFFFFFF  }
0x9e: {  	s19 =	sld [smem:$0x3FDB];
	_ =	sdelay $0x1  }
0x9f: {  	s5 =	simm.s32 $_scs_section_size  }
0xa0: {  	s6 =	simm.s32 $_size__tile_overlayer_lowered;
	s7 =	simm.s32 $_tile_overlayer_lowered  }
0xa1: {  	s22 =	simm.s32 $0x1BFF;
	s21 =	sshll.u32 s7, $0x1;
	s4 =	sadd.s32 s5, s19  }
0xa2: {  	s8 =	simm.s32 $0x0;
	s20 =	sshll.u32 s6, $0x1;
	s6 =	sadd.s32 s21, s4  }
0xa3: {  	[timem:s8], [sflag:s22] =	dma.local [hbm:s6], s20  }
0xa4: {  	_ =	swait.ge [sflag:s22], s20  }
0xa5: {  	s5 =	ssub.s32 $0x0, s20;
	[sflag:s22] =	ssyncset.done $0x0  }
0xa6: {  	[sflag:s22] =	ssyncadd.s32 s5;
	_ =	sdelay $0x1  }
0xa7: {  	s23 =	simm.s32 $0x1B8B  }
0xa8: {  	_ =	swait.ge [sflag:s23], $0x1  }
0xa9: {  	[sflag:s23] =	ssyncset.done $0x0  }
0xaa: {  	s25 =	simm.s32 $0x1B8E;
	s24 =	sld [smem:$0x3FFE];
	[sflag:s23] =	ssyncadd.s32 $0xFFFFFFFF  }
0xab: {  	s26 =	simm.s32 $execute0_lowered;
	[smem:$0x3FD2] =	sst s25  }
0xac: {  	s6 =	sshll.u32 s26, $0x1;
	_ =	strace $0x80000046;
	[dreg:$0x1] =	wrdreg $0xFFFFFFFF  }
0xad: {  	s28 =	simm.s32 $_size_execute0_lowered;
	s4 =	sadd.s32 s4, s6;
	[dreg:$0x0] =	wrdreg $0x0  }
0xae: {  	s6 =	sshll.u32 s28, $0x1;
	[dreg:$0x2] =	wrdreg s4  }
0xaf: {  	[dreg:$0x3] =	wrdreg s6  }
0xb0: {  	[dreg:$0x4] =	wrdreg $0xC0  }
0xb1: {  	_ =	task [dreg:s8], $0x5FFFF  }
0xb2: {  	[dreg:$0x1] =	wrdreg $0xFFFFFFFF  }
0xb3: {  	[dreg:$0x0] =	wrdreg $0x60  }
0xb4: {  	[dreg:$0x2] =	wrdreg s24  }
0xb5: {  	[dreg:$0x3] =	wrdreg s17  }
0xb6: {  	[dreg:$0x4] =	wrdreg s16  }
0xb7: {  	[dreg:$0x5] =	wrdreg $0x9  }
0xb8: {  	_ =	task.clear_ibuf [dreg:s8], $0x6FFFF;
	_ =	strace $0x90000046  }
0xb9: {  	s29 =	simm.s32 $0x9;
	_ =	strace $0x80000048  }
0xba: {  	_ =	swait.ge [sflag:s29], $0x1  }
0xbb: {  	[sflag:s29] =	ssyncadd.s32 $0xFFFFFFFF  }
0xbc: {  	_ =	strace $0x90000048  }
0xbd: {  	_ =	sfence  }
0xbe: {  	s30 =	sld [smem:$0x0];
	_ =	sdelay $0x2  }
0xbf: {  	s31 =	sshll.u32 s1, $0xD;
	s1 =	sshrl.u32 s1, $0x2  }
0xc0: {  	s3 =	sand.u32 $0x4000, s31;
	s1 =	sadd.s32 s1, s30  }
0xc1: {  	s0 =	sor.u32 s3, s0;
	s1 =	sshll.u32 s1, $0x11  }
0xc2: {  	s0 =	sor.u32 s1, s0  }
0xc3: {  	s0 =	sadd.s32 $0x8F2B, s0  }
0xc4: {  	[sflag:s0] =	ssyncadd.remote.s32 $0x1  }
0xc5: {  	_ =	sfence.sel $0xFFFF  }
0xc6: {  	[dreg:$0x0] =	wrdreg $0xFFFFFFFF;
	(pc) =	sbr.abs _section_cstart, $3  }
0xc7: {  	[dreg:$0x1] =	wrdreg $0xFFFFFFFF  }
0xc8: {  	_ =	task.clear_ibuf [dreg:s8], $0x2FFFF;
	_ =	strace $0x9FFFFFFF  }
0xc9: {  	(tm) =	ssettm $0x7FFFFFFF  }
tec
execute0_lowered:
.L_overlay_start_1:
0x0: {  	(tag) =	ssettag $0x1  }
0x1: {  	s0 =	rddreg [dreg:$0x0]  }
0x2: {  	s2 =	rddreg [dreg:$0x2];
	s3 =	simm.s32 $0x0  }
0x3: {  	s12 =	stileid.u32;
	s1 =	srdreg.scid;
	s15 =	simm.s32 $0x2  }
0x4: {  	s16 =	simm.s32 $0x3B80;
	s17 =	simm.s32 $0x50;
	s18 =	simm.s32 $0x3D00  }
0x5: {  	s19 =	simm.s32 $0x1;
	s24 =	simm.s32 $0x3C70;
	s28 =	simm.s32 $0xE980  }
0x6: {  	s29 =	simm.s32 $0x40;
	s30 =	simm.s32 $0x11000;
	[smem:$0x7FF] =	sst s3  }
0x7: {  	s5 =	sadd.s32 $0x31C00, s0;
	s6 =	sadd.s32 $0xC00, s0;
	s4 =	smul.u32 $0x280, s12  }
0x8: {  	s7 =	sadd.s32 $0xAA00, s0;
	s1 =	sand.u32 $0x1, s1;
	s9 =	smul.u32 $0x140, s12  }
0x9: {  	s8 =	sadd.s32 $0x6F600, s0;
	s10 =	sadd.s32 $0x5B600, s0;
	s13 =	smul.u32 $0x1400, s12  }
.Ltmp0:
0xa: {  	_ =	strace $0x80000047;
	[dreg:$0x4] =	wrdreg s8;
	(pc) =	sbr.rel .LBB2_1-.Ltmp0, $4  }
0xb: {  	v0 =	vlaneseq.u32;
	s25 =	ssub.s32 $0x2, s1;
	s11 =	smul.u32 $0x27100, s1;
	p0 =	seq.s32 s1, $0x1  }
0xc: {  	v4 =	vmul.u32 $0xFFFFFFFF, v0;
	s0 =	sadd.s32 s4, s0;
	s26 =	sshrl.u32 s25, $0x1;
	s31 =	sadd.s32 $0x140, s9  }
0xd: {  	v3 =	vimm.s32 $0x0;
	v5 =	vimm.s32 $0x1;
	s4 =	ssub.s32 s25, s26;
	s0 =	sadd.s32 $0x58E00, s0;
	s26 =	simm.s32 $0xDD00  }
0xe: {  	v2 =	vmov s9;
	v4 =	vadd.s32 $0x1388, v4;
	v1 =	vmov s31;
	[dreg:$0x5] =	wrdreg s0;
	s14 =	smax.u32 s4, $0x1;
	s0 =	simm.s32 $0x0  }
.LBB2_32:
0xf: {  	s0 =	sadd.s32 $0x1, s0  }
0x10: {  	p1 =	sne.s32 s0, s14  }
.Ltmp1:
0x11: {  	s1 =	sadd.s32 s1, s13;
	(pc) =	sbr.rel @!p1 .LBB2_33-.Ltmp1, $4  }
0x12: {  	[hbm4b:s1+s3] =	stream.linear.scatter [tilespmem:s18], [sflag:$0x2], $0xA000, $0x38;
	[tilespmem:$0x16C00] =	vst v63  }
0x13: {  	_ =	swait.ge [sflag:s15], $0xA000  }
0x14: {  	[sflag:s15] =	ssyncset.done $0x0  }
0x15: {  	[sflag:s15] =	ssyncadd.s32 $0xFFFF6000  }
.LBB2_1:
0x16: {  	s1 =	simm.s32 $0x40;
	s4 =	simm.s32 $0x0  }
.LBB2_2:
0x17: {  	p1 =	sne.s32 s1, $0x9DC0;
	[tilespmem:s4+$0x0] =	vst v3;
	s4 =	smov.u32 s1;
	s1 =	sadd.s32 $0x40, s1  }
.Ltmp2:
0x18: {  	(pc) =	sbr.rel @p1 .LBB2_2-.Ltmp2, $2  }
0x19: {  	_ =	sdelay $0x2  }
0x1a: {  	s4 =	sshra.s32 s4, $0x2  }
0x1b: {  	[tilespmem:s4+$0x0] =	vst v3;
	s1 =	simm.s32 $0x0;
	s4 =	simm.s32 $0x2780;
	s8 =	rddreg [dreg:$0x1]  }
0x1c: {  	[tilespmem:s4], [sflag:$0x2] =	stream.linear.gather [hbm4b:s8+s1], $0x1400, $0x38;
	[tilespmem:$0x16C00] =	vst v63  }
0x1d: {  	_ =	swait.ge [sflag:s15], $0x1400  }
0x1e: {  	[sflag:s15] =	ssyncset.done $0x0  }
0x1f: {  	[sflag:s15] =	ssyncadd.s32 $0xFFFFEC00  }
0x20: {  	s12 =	simm.s32 $0x0;
	s8 =	simm.s32 $0x10;
	v6 =	vld [tilespmem:s4+$0x0]  }
.LBB2_4:
0x21: {  	p1 =	sne.s32 s8, $0x13F0;
	v7 =	vmov s12;
	s12 =	smov.u32 s8  }
0x22: {  	vm0 =	vlt.u32 v7, v4;
	_ =	sdelay $0x2  }
.Ltmp3:
0x23: {  	(pc) =	sbr.rel @p1 .LBB2_4-.Ltmp3, $3  }
0x24: {  	_ =	sdelay $0x1  }
0x25: {  	s4 =	sadd.s32 $0x10, s4;
	[tilespmem:v6+s1+$0x0] =	vst.idx.msk vm0, v5  }
0x26: {  	s8 =	sadd.s32 $0x10, s8;
	v6 =	vld [tilespmem:s4+$0x0]  }
0x27: {  	_ = 	snop  }
0x28: {  	v7 =	vmov s12  }
0x29: {  	vm0 =	vlt.u32 v7, v4;
	_ =	sdelay $0x5  }
0x2a: {  	s31 =	simm.s32 $0x0;
	[tilespmem:v6+s1+$0x0] =	vst.idx.msk vm0, v5  }
0x2b: {  	v6 =	vld [tilespmem:s31+$0x0];
	_ =	sdelay $0x4  }
0x2c: {  	(xrf0) =	vadd.scan.msk.s32 $0xffff, v6;
	_ =	sdelay $0x5  }
0x2d: {  	v7 =	vmov s1;
	v8, _, _ =	vpop (xrf0)  }
0x2e: {  	v7 =	vadd.s32 $0xFFFFFFFF, v7;
	(v2sf) =	vpush v8, $0xF  }
0x2f: {  	v7 =	vbroadcast v7, $0x0;
	_ =	sdelay $0x1  }
0x30: {  	vm15 =	vgt.s32 v6, $0x0;
	v6 =	vadd.s32 v8, v7  }
0x31: {  	v6 =	vnsel vm15, $0x40000000, v6  }
0x32: {  	s4 =	simm.s32 $0x10;
	s8 =	simm.s32 $0x80;
	[tilespmem:s31+$0x0] =	vst v6  }
.LBB2_6:
0x33: {  	p1 =	sne.s32 s8, $0x9DC0;
	v6 =	vld [tilespmem:s4+$0x0];
	_ =	sdelay $0x4  }
0x34: {  	vm0 =	vgt.s32 v6, $0x0;
	(xrf0) =	vadd.scan.msk.s32 $0xffff, v6;
	_ =	sdelay $0x3  }
0x35: {  	s12 =	spop (v2sf)  }
0x36: {  	s1 =	sadd.s32 s1, s12  }
0x37: {  	v6 =	vmov s1;
	v7, _, _ =	vpop (xrf0)  }
0x38: {  	v6 =	vadd.s32 $0xFFFFFFFF, v6;
	(v2sf) =	vpush v7, $0xF  }
.Ltmp4:
0x39: {  	v6 =	vbroadcast v6, $0x0;
	(pc) =	sbr.rel @p1 .LBB2_6-.Ltmp4, $4  }
0x3a: {  	_ = 	snop  }
0x3b: {  	v6 =	vadd.s32 v7, v6  }
0x3c: {  	v6 =	vnsel vm0, $0x40000000, v6  }
0x3d: {  	[tilespmem:s4+$0x0] =	vst v6;
	s4 =	sshra.s32 s8, $0x2;
	s8 =	sadd.s32 $0x40, s8  }
0x3e: {  	_ =	sdelay $0x2  }
0x3f: {  	v6 =	vld [tilespmem:s4+$0x0];
	_ =	sdelay $0x4  }
0x40: {  	(xrf0) =	vadd.scan.msk.s32 $0xffff, v6  }
0x41: {  	s8 =	spop (v2sf)  }
0x42: {  	s1 =	sadd.s32 s1, s8  }
0x43: {  	v7 =	vmov s1  }
0x44: {  	v7 =	vadd.s32 $0xFFFFFFFF, v7  }
0x45: {  	v7 =	vbroadcast v7, $0x0  }
0x46: {  	v8, _, _ =	vpop (xrf0)  }
0x47: {  	vm0 =	vgt.s32 v6, $0x0;
	v6 =	vadd.s32 v8, v7  }
0x48: {  	v6 =	vnsel vm0, $0x40000000, v6  }
0x49: {  	[tilespmem:s4+$0x0] =	vst v6  }
0x4a: {  	[tilespmem:$0x3B80] =	vst v3  }
0x4b: {  	[tilespmem:$0x3B90] =	vst v3  }
0x4c: {  	[tilespmem:$0x3BA0] =	vst v3  }
0x4d: {  	[tilespmem:$0x3BB0] =	vst v3  }
0x4e: {  	[tilespmem:$0x3BC0] =	vst v3  }
0x4f: {  	(v2sf) =	vpush v8, $0xF;
	[tilespmem:$0x3BD0] =	vst v3  }
0x50: {  	[tilespmem:$0x3BE0] =	vst v3  }
0x51: {  	[tilespmem:$0x3BF0] =	vst v3  }
0x52: {  	[tilespmem:$0x3C00] =	vst v3  }
0x53: {  	[tilespmem:$0x3C10] =	vst v3  }
0x54: {  	[tilespmem:$0x3C20] =	vst v3  }
0x55: {  	[tilespmem:$0x3C30] =	vst v3  }
0x56: {  	[tilespmem:$0x3C40] =	vst v3  }
0x57: {  	[tilespmem:$0x3C50] =	vst v3  }
0x58: {  	[tilespmem:$0x3C60] =	vst v3  }
0x59: {  	[tilespmem:$0x3C70] =	vst v3  }
0x5a: {  	[tilespmem:$0x3C80] =	vst v3  }
0x5b: {  	[tilespmem:$0x3C90] =	vst v3  }
0x5c: {  	[tilespmem:$0x3CA0] =	vst v3  }
0x5d: {  	s1 =	simm.s32 $0x0;
	[tilespmem:$0x3CB0] =	vst v3  }
0x5e: {  	s8 =	simm.s32 $0x0;
	s4 =	simm.s32 $0x10;
	v6 =	vld [tilespmem:s1+$0x0];
	s31 =	spop (v2sf)  }
.LBB2_8:
0x5f: {  	p1 =	sne.s32 s4, $0x2770;
	_ =	sdelay $0x3  }
0x60: {  	vm0 =	vge.s32 v6, v2;
	vm1 =	vlt.s32 v6, v1  }
0x61: {  	vm0 =	vmand vm0, vm1  }
0x62: {  	v6 =	vsub.s32 v6, v2;
	_ =	sdelay $0x1  }
.Ltmp5:
0x63: {  	(pc) =	sbr.rel @p1 .LBB2_8-.Ltmp5, $4  }
0x64: {  	_ = 	snop  }
0x65: {  	v7 =	vor.u32 s1, v0;
	s1 =	smov.u32 s4  }
0x66: {  	s8 =	sadd.s32 $0x10, s8;
	[tilespmem:v6+s16+$0x0] =	vst.idx.msk vm0, v7  }
0x67: {  	s4 =	sadd.s32 $0x10, s4;
	v6 =	vld [tilespmem:s8+$0x0]  }
0x68: {  	_ =	sdelay $0x3  }
0x69: {  	vm0 =	vge.s32 v6, v2;
	vm1 =	vlt.s32 v6, v1  }
0x6a: {  	vm0 =	vmand vm0, vm1  }
0x6b: {  	v6 =	vsub.s32 v6, v2;
	_ =	sdelay $0x3  }
0x6c: {  	v7 =	vor.u32 s1, v0  }
0x6d: {  	[tilespmem:v6+s16+$0x0] =	vst.idx.msk vm0, v7  }
0x6e: {  	[tilespmem:s18], [sflag:$0x1] =	stream.indirect.gather [hbm4b:s5+s17], $0x80, s16, s17, $0xb8;
	[tilespmem:$0x16C00] =	vst v63  }
0x6f: {  	_ =	swait.ge [sflag:s19], $0x2800  }
0x70: {  	[sflag:s19] =	ssyncset.done $0x0  }
0x71: {  	s22 =	simm.s32 $0x3BD0;
	s4 =	simm.s32 $0x6500;
	[sflag:s19] =	ssyncadd.s32 $0xFFFFD800  }
0x72: {  	[tilespmem:s4], [sflag:$0x1] =	stream.indirect.gather [hbm4b:s5+s17], $0x80, s22, s17, $0xb8;
	[tilespmem:$0x16C00] =	vst v63  }
0x73: {  	_ =	swait.ge [sflag:s19], $0x2800  }
0x74: {  	[sflag:s19] =	ssyncset.done $0x0  }
0x75: {  	s23 =	simm.s32 $0x3C20;
	s25 =	simm.s32 $0x8D00;
	[sflag:s19] =	ssyncadd.s32 $0xFFFFD800  }
0x76: {  	[tilespmem:s25], [sflag:$0x1] =	stream.indirect.gather [hbm4b:s5+s17], $0x80, s23, s17, $0xb8;
	[tilespmem:$0x16C00] =	vst v63  }
0x77: {  	_ =	swait.ge [sflag:s19], $0x2800  }
0x78: {  	[sflag:s19] =	ssyncset.done $0x0  }
0x79: {  	s31 =	simm.s32 $0xB500;
	[sflag:s19] =	ssyncadd.s32 $0xFFFFD800  }
0x7a: {  	[tilespmem:s31], [sflag:$0x1] =	stream.indirect.gather [hbm4b:s5+s17], $0x80, s24, s17, $0xb8;
	[tilespmem:$0x16C00] =	vst v63  }
0x7b: {  	_ =	swait.ge [sflag:s19], $0x2800  }
0x7c: {  	s1 =	simm.s32 $0x40;
	[sflag:s19] =	ssyncset.done $0x0  }
0x7d: {  	s8 =	simm.s32 $0x0;
	s4 =	simm.s32 $0x0;
	[sflag:s19] =	ssyncadd.s32 $0xFFFFD800  }
.LBB2_10:
0x7e: {  	p1 =	sne.s32 s1, $0x31C0;
	[tilespmem:s8+$0xF600] =	vst v3;
	s8 =	smov.u32 s1;
	s1 =	sadd.s32 $0x40, s1  }
.Ltmp6:
0x7f: {  	(pc) =	sbr.rel @p1 .LBB2_10-.Ltmp6, $2  }
0x80: {  	_ =	sdelay $0x2  }
0x81: {  	s8 =	sshra.s32 s8, $0x2  }
.Ltmp7:
0x82: {  	(pc) =	sbr.rel .LBB2_12-.Ltmp7, $2  }
0x83: {  	_ =	sdelay $0x2  }
0x84: {  	[tilespmem:s8+$0xF600] =	vst v3  }
.LBB2_21:
0x85: {  	s4 =	sadd.s32 $0x1, s4  }
0x86: {  	p1 =	sne.s32 s4, $0x32  }
.Ltmp8:
0x87: {  	_ = 	snop;
	(pc) =	sbr.rel @!p1 .LBB2_22-.Ltmp8, $1  }
0x88: {  	_ =	sdelay $0x3  }
.LBB2_12:
0x89: {  	s1 =	smul.u32 $0xC80, s4;
	_ =	sdelay $0x1  }
0x8a: {  	s1 =	sadd.s32 s11, s1  }
0x8b: {  	s8 =	sshrl.u32 s1, $0x3  }
0x8c: {  	s21 =	simm.s32 $0x0;
	s12 =	sadd.s32 s2, s8  }
0x8d: {  	[tilespmem:s26], [sflag:$0x2] =	stream.linear.gather [hbm4b:s12+s21], $0xC80, $0x38;
	[tilespmem:$0x16C00] =	vst v63  }
0x8e: {  	_ =	swait.ge [sflag:s15], $0xC80  }
0x8f: {  	[sflag:s15] =	ssyncset.done $0x0  }
0x90: {  	s8 =	sadd.s32 s6, s8;
	[sflag:s15] =	ssyncadd.s32 $0xFFFFF380  }
0x91: {  	[tilespmem:s28], [sflag:$0x2] =	stream.linear.gather [hbm4b:s8+s21], $0xC80, $0x38;
	[tilespmem:$0x16C00] =	vst v63  }
0x92: {  	_ =	swait.ge [sflag:s15], $0xC80  }
0x93: {  	[sflag:s15] =	ssyncset.done $0x0  }
0x94: {  	s22 =	simm.s32 $0x0;
	[sflag:s15] =	ssyncadd.s32 $0xFFFFF380  }
0x95: {  	v6 =	vld [tilespmem:s22+$0xDD00];
	_ =	sdelay $0x7  }
0x96: {  	v6 =	vld.idx.msk [tilespmem:v6+s3+$0x0], $0xffff;
	_ =	sdelay $0x1  }
0x97: {  	v7 =	vld [tilespmem:s22+$0xE980];
	_ =	sdelay $0x2  }
0x98: {  	vm0 =	vge.s32 v6, v2;
	vm1 =	vlt.s32 v6, v1  }
0x99: {  	vm0 =	vmand vm0, vm1  }
0x9a: {  	v8 =	vmpcnt.ones.xlane vm0;
	[tilespmem:s21+$0xF600] =	vst.msk vm0, v7  }
0x9b: {  	[tilespmem:s21+$0x10300] =	vst.msk vm0, v6  }
0x9c: {  	v6 =	vld [tilespmem:s22+$0xDD10];
	(v2sf) =	vpush v8, $0x0;
	_ =	sdelay $0x7  }
0x9d: {  	v6 =	vld.idx.msk [tilespmem:v6+s3+$0x0], $0xffff;
	_ =	sdelay $0x3  }
0x9e: {  	v7 =	vld [tilespmem:s22+$0xE990]  }
0x9f: {  	vm0 =	vge.s32 v6, v2;
	vm1 =	vlt.s32 v6, v1  }
0xa0: {  	vm0 =	vmand vm0, vm1  }
0xa1: {  	s23 =	spop (v2sf);
	v8 =	vmpcnt.ones.xlane vm0  }
0xa2: {  	s1 =	sadd.s32 $0x0, s23  }
0xa3: {  	[tilespmem:s1+$0xF600] =	vst.msk vm0, v7;
	(v2sf) =	vpush v8, $0x0  }
0xa4: {  	[tilespmem:s1+$0x10300] =	vst.msk vm0, v6  }
0xa5: {  	v6 =	vld [tilespmem:s22+$0xDD20];
	_ =	sdelay $0x7  }
0xa6: {  	v6 =	vld.idx.msk [tilespmem:v6+s3+$0x0], $0xffff;
	_ =	sdelay $0x1  }
0xa7: {  	v7 =	vld [tilespmem:s22+$0xE9A0];
	_ =	sdelay $0x2  }
0xa8: {  	vm0 =	vge.s32 v6, v2;
	vm1 =	vlt.s32 v6, v1;
	s25 =	spop (v2sf)  }
0xa9: {  	s1 =	sadd.s32 s1, s25;
	vm0 =	vmand vm0, vm1  }
0xaa: {  	v8 =	vmpcnt.ones.xlane vm0;
	[tilespmem:s1+$0xF600] =	vst.msk vm0, v7  }
0xab: {  	[tilespmem:s1+$0x10300] =	vst.msk vm0, v6  }
0xac: {  	v6 =	vld [tilespmem:s22+$0xDD30];
	(v2sf) =	vpush v8, $0x0;
	_ =	sdelay $0x7  }
0xad: {  	v6 =	vld.idx.msk [tilespmem:v6+s3+$0x0], $0xffff;
	_ =	sdelay $0x3  }
0xae: {  	v7 =	vld [tilespmem:s22+$0xE9B0]  }
0xaf: {  	vm0 =	vge.s32 v6, v2;
	vm1 =	vlt.s32 v6, v1  }
0xb0: {  	vm0 =	vmand vm0, vm1  }
0xb1: {  	s31 =	spop (v2sf);
	v8 =	vmpcnt.ones.xlane vm0  }
0xb2: {  	s8 =	sadd.s32 s1, s31  }
0xb3: {  	[tilespmem:s8+$0xF600] =	vst.msk vm0, v7;
	(v2sf) =	vpush v8, $0x0  }
0xb4: {  	s1 =	simm.s32 $0x40;
	[tilespmem:s8+$0x10300] =	vst.msk vm0, v6  }
0xb5: {  	v6 =	vld [tilespmem:s1+$0xDD00];
	_ =	sdelay $0x7  }
0xb6: {  	v6 =	vld.idx.msk [tilespmem:v6+s3+$0x0], $0xffff;
	_ =	sdelay $0x2  }
0xb7: {  	v7 =	vld [tilespmem:s1+$0xE980];
	_ =	sdelay $0x1  }
0xb8: {  	s21 =	simm.s32 $0x200;
	vm0 =	vge.s32 v6, v2;
	vm1 =	vlt.s32 v6, v1;
	s12 =	spop (v2sf)  }
.LBB2_13:
0xb9: {  	p1 =	seq.s32 s21, $0x3100  }
0xba: {  	vm0 =	vmand vm0, vm1;
	s8 =	sadd.s32 s8, s12;
	s23 =	smov.u32 s21;
	s21 =	sadd.s32 $0x100, s21  }
0xbb: {  	v8 =	vmpcnt.ones.xlane vm0;
	[tilespmem:s8+$0xF600] =	vst.msk vm0, v7  }
0xbc: {  	[tilespmem:s8+$0x10300] =	vst.msk vm0, v6  }
0xbd: {  	v6 =	vld [tilespmem:s1+$0xDD10];
	(v2sf) =	vpush v8, $0x0;
	_ =	sdelay $0x7  }
0xbe: {  	v6 =	vld.idx.msk [tilespmem:v6+s3+$0x0], $0xffff;
	_ =	sdelay $0x3  }
0xbf: {  	v7 =	vld [tilespmem:s1+$0xE990];
	_ =	sdelay $0x1  }
0xc0: {  	vm0 =	vge.s32 v6, v2;
	vm1 =	vlt.s32 v6, v1  }
0xc1: {  	vm0 =	vmand vm0, vm1;
	s12 =	spop (v2sf)  }
0xc2: {  	v8 =	vmpcnt.ones.xlane vm0;
	s8 =	sadd.s32 s8, s12  }
0xc3: {  	[tilespmem:s8+$0xF600] =	vst.msk vm0, v7  }
0xc4: {  	[tilespmem:s8+$0x10300] =	vst.msk vm0, v6;
	(v2sf) =	vpush v8, $0x0  }
0xc5: {  	v6 =	vld [tilespmem:s1+$0xDD20];
	_ =	sdelay $0x7  }
0xc6: {  	v6 =	vld.idx.msk [tilespmem:v6+s3+$0x0], $0xffff;
	_ =	sdelay $0x2  }
0xc7: {  	v7 =	vld [tilespmem:s1+$0xE9A0];
	_ =	sdelay $0x2  }
0xc8: {  	vm0 =	vge.s32 v6, v2;
	vm1 =	vlt.s32 v6, v1;
	s12 =	spop (v2sf)  }
0xc9: {  	vm0 =	vmand vm0, vm1;
	s8 =	sadd.s32 s8, s12  }
0xca: {  	v8 =	vmpcnt.ones.xlane vm0;
	[tilespmem:s8+$0xF600] =	vst.msk vm0, v7  }
0xcb: {  	[tilespmem:s8+$0x10300] =	vst.msk vm0, v6  }
0xcc: {  	v6 =	vld [tilespmem:s1+$0xDD30];
	(v2sf) =	vpush v8, $0x0  }
0xcd: {  	v7 =	vld [tilespmem:s1+$0xE9B0];
	_ =	sdelay $0x6  }
0xce: {  	v6 =	vld.idx.msk [tilespmem:v6+s3+$0x0], $0xffff;
	_ =	sdelay $0x5  }
0xcf: {  	vm0 =	vge.s32 v6, v2;
	vm1 =	vlt.s32 v6, v1  }
0xd0: {  	vm0 =	vmand vm0, vm1;
	s1 =	spop (v2sf)  }
0xd1: {  	v8 =	vmpcnt.ones.xlane vm0;
	s8 =	sadd.s32 s8, s1  }
0xd2: {  	[tilespmem:s8+$0xF600] =	vst.msk vm0, v7  }
0xd3: {  	s1 =	sshra.s32 s23, $0x2;
	[tilespmem:s8+$0x10300] =	vst.msk vm0, v6;
	(v2sf) =	vpush v8, $0x0  }
0xd4: {  	v6 =	vld [tilespmem:s1+$0xDD00];
	_ =	sdelay $0x7  }
0xd5: {  	v6 =	vld.idx.msk [tilespmem:v6+s3+$0x0], $0xffff;
	_ =	sdelay $0x1  }
.Ltmp9:
0xd6: {  	(pc) =	sbr.rel @!p1 .LBB2_13-.Ltmp9, $2  }
0xd7: {  	v7 =	vld [tilespmem:s1+$0xE980];
	_ =	sdelay $0x2  }
0xd8: {  	vm0 =	vge.s32 v6, v2;
	vm1 =	vlt.s32 v6, v1;
	s12 =	spop (v2sf)  }
0xd9: {  	vm0 =	vmand vm0, vm1;
	s8 =	sadd.s32 s8, s12  }
0xda: {  	v8 =	vmpcnt.ones.xlane vm0;
	[tilespmem:s8+$0xF600] =	vst.msk vm0, v7  }
0xdb: {  	[tilespmem:s8+$0x10300] =	vst.msk vm0, v6  }
0xdc: {  	v6 =	vld [tilespmem:s1+$0xDD10];
	(v2sf) =	vpush v8, $0x0;
	_ =	sdelay $0x7  }
0xdd: {  	v6 =	vld.idx.msk [tilespmem:v6+s3+$0x0], $0xffff;
	_ =	sdelay $0x3  }
0xde: {  	v7 =	vld [tilespmem:s1+$0xE990]  }
0xdf: {  	vm10 =	vge.s32 v6, v2;
	vm11 =	vlt.s32 v6, v1  }
0xe0: {  	vm0 =	vmand vm10, vm11  }
0xe1: {  	s22 =	spop (v2sf);
	v63 =	vmpcnt.ones.xlane vm0  }
0xe2: {  	s8 =	sadd.s32 s8, s22  }
0xe3: {  	[tilespmem:s8+$0xF600] =	vst.msk vm0, v7;
	(v2sf) =	vpush v63, $0x0  }
0xe4: {  	[tilespmem:s8+$0x10300] =	vst.msk vm0, v6  }
0xe5: {  	v6 =	vld [tilespmem:s1+$0xDD20];
	_ =	sdelay $0x7  }
0xe6: {  	v6 =	vld.idx.msk [tilespmem:v6+s3+$0x0], $0xffff;
	_ =	sdelay $0x1  }
0xe7: {  	v7 =	vld [tilespmem:s1+$0xE9A0];
	_ =	sdelay $0x2  }
0xe8: {  	vm12 =	vge.s32 v6, v2;
	vm13 =	vlt.s32 v6, v1;
	s23 =	spop (v2sf)  }
0xe9: {  	s8 =	sadd.s32 s8, s23;
	vm0 =	vmand vm12, vm13  }
0xea: {  	[tilespmem:s8+$0xF600] =	vst.msk vm0, v7  }
0xeb: {  	[tilespmem:s8+$0x10300] =	vst.msk vm0, v6  }
0xec: {  	v6 =	vld [tilespmem:s1+$0xDD30];
	_ =	sdelay $0x7  }
0xed: {  	v6 =	vld.idx.msk [tilespmem:v6+s3+$0x0], $0xffff;
	_ =	sdelay $0x4  }
0xee: {  	v7 =	vmpcnt.ones.xlane vm0;
	vm14 =	vge.s32 v6, v2;
	vm15 =	vlt.s32 v6, v1  }
0xef: {  	vm0 =	vmand vm14, vm15  }
0xf0: {  	(v2sf) =	vpush v7, $0x0;
	v7 =	vmpcnt.ones.xlane vm0;
	_ =	sdelay $0x1  }
0xf1: {  	(v2sf) =	vpush v7, $0x0;
	_ =	sdelay $0xd  }
0xf2: {  	s25 =	spop (v2sf)  }
0xf3: {  	v7 =	vld [tilespmem:s1+$0xE9B0];
	s1 =	sadd.s32 s8, s25;
	s31 =	spop (v2sf)  }
0xf4: {  	s21 =	sadd.s32 s1, s31  }
0xf5: {  	p1 =	sgt.s32 s21, $0x0  }
.Ltmp10:
0xf6: {  	_ = 	snop;
	(pc) =	sbr.rel @!p1 .LBB2_21-.Ltmp10, $3  }
0xf7: {  	_ =	sdelay $0x1  }
0xf8: {  	[tilespmem:s1+$0xF600] =	vst.msk vm0, v7  }
0xf9: {  	[tilespmem:s1+$0x10300] =	vst.msk vm0, v6  }
.Ltmp11:
0xfa: {  	(pc) =	sbr.rel .LBB2_16-.Ltmp11, $3  }
0xfb: {  	_ =	sdelay $0x1  }
0xfc: {  	s1 =	simm.s32 $0x0  }
0xfd: {  	s12 =	simm.s32 $0x10300;
	s31 =	smov.u32 s21;
	s23 =	simm.s32 $0x0  }
.LBB2_19:
0xfe: {  	_ =	sdelay $0x4  }
0xff: {  	v6 =	vld [tilespmem:s25+$0x10]  }
0x100: {  	v7 =	vld [tilespmem:s25+$0xFFFFFFD0]  }
0x101: {  	v8 =	vld [tilespmem:s25+$0xFFFFFFC0]  }
0x102: {  	v9 =	vld [tilespmem:s25+$0x30]  }
0x103: {  	v10 =	vld [tilespmem:s25+$0x20];
	s1 =	spop (v2sf)  }
0x104: {  	v11 =	vld [tilespmem:s25+$0xFFFFFFF0];
	s1 =	ssub.s32 s1, s9  }
0x105: {  	v12 =	vld [tilespmem:s25+$0xFFFFFFE0];
	s1 =	sshll.u32 s1, $0x9  }
0x106: {  	v13 =	vld [tilespmem:s25+$0x0];
	s1 =	sshra.s32 s1, $0x2  }
0x107: {  	v14 =	vld [tilespmem:s1+$0x3D40]  }
0x108: {  	v15 =	vld [tilespmem:s1+$0x3D20]  }
0x109: {  	v16 =	vld [tilespmem:s1+$0x3D30]  }
0x10a: {  	v17 =	vld [tilespmem:s1+$0x3D60]  }
0x10b: {  	v18 =	vld [tilespmem:s1+$0x3D70]  }
0x10c: {  	v19 =	vld [tilespmem:s1+$0x3D10];
	v13 =	vmax.f32 v14, v13  }
0x10d: {  	v62 =	vld [tilespmem:s1+$0x3D50];
	v12 =	vmax.f32 v15, v12;
	[tilespmem:s1+$0x3D40] =	vst v13  }
0x10e: {  	v63 =	vld [tilespmem:s1+$0x3D00];
	v11 =	vmax.f32 v16, v11;
	[tilespmem:s1+$0x3D20] =	vst v12  }
0x10f: {  	v10 =	vmax.f32 v17, v10;
	[tilespmem:s1+$0x3D30] =	vst v11  }
0x110: {  	v9 =	vmax.f32 v18, v9;
	[tilespmem:s1+$0x3D60] =	vst v10  }
0x111: {  	v7 =	vmax.f32 v19, v7;
	[tilespmem:s1+$0x3D70] =	vst v9  }
0x112: {  	v6 =	vmax.f32 v62, v6;
	[tilespmem:s1+$0x3D10] =	vst v7  }
0x113: {  	v7 =	vmax.f32 v63, v8;
	[tilespmem:s1+$0x3D50] =	vst v6  }
0x114: {  	[tilespmem:s1+$0x3D00] =	vst v7  }
.LBB2_20:
0x115: {  	s23 =	sadd.s32 $0x1, s23  }
0x116: {  	s1 =	sshll.u32 s23, $0x6  }
0x117: {  	p1 =	slt.s32 s1, s21  }
.Ltmp12:
0x118: {  	_ = 	snop;
	(pc) =	sbr.rel @!p1 .LBB2_21-.Ltmp12, $2  }
0x119: {  	_ =	sdelay $0x2  }
0x11a: {  	s31 =	sadd.s32 $0xFFFFFFC0, s31;
	s12 =	sadd.s32 $0x40, s12  }
.LBB2_16:
0x11b: {  	s25 =	ssub.s32 s21, s1  }
0x11c: {  	p1 =	slt.s32 s25, $0x1  }
.Ltmp13:
0x11d: {  	s8 =	sadd.s32 $0xF600, s1;
	(pc) =	sbr.rel @p1 .LBB2_20-.Ltmp13, $4  }
0x11e: {  	[tilespmem:s30], [sflag:$0x1] =	stream.indirect.gather [hbm4b:s5+s29], $0x80, s8, s29, $0xb8;
	[tilespmem:$0x16C00] =	vst v63  }
0x11f: {  	_ =	swait.ge [sflag:s19], $0x2000  }
0x120: {  	[sflag:s19] =	ssyncset.done $0x0  }
0x121: {  	[sflag:s19] =	ssyncadd.s32 $0xFFFFE000  }
0x122: {  	v6 =	vld [tilespmem:s12+$0x0];
	_ =	sdelay $0x1  }
0x123: {  	p1 =	sgt.s32 s31, $0x1;
	s1 =	smov.u32 s31  }
0x124: {  	s1 =	simm.s32 @!p1 $0x1  }
0x125: {  	s1 =	smin.u32 s1, $0x40  }
0x126: {  	p1 =	sne.s32 s1, $0x1;
	(v2sf) =	vpush v6, $0x0  }
.Ltmp14:
0x127: {  	_ = 	snop;
	(pc) =	sbr.rel @!p1 .LBB2_19-.Ltmp14, $3  }
0x128: {  	_ =	sdelay $0x1  }
0x129: {  	s25 =	simm.s32 $0x11040  }
0x12a: {  	s20 =	simm.s32 $0x11040;
	s8 =	sadd.s32 $0xFFFFFFFF, s1;
	s1 =	smov.u32 s12  }
.LBB2_18:
0x12b: {  	_ = 	snop  }
0x12c: {  	p1 =	sne.s32 s8, $0x1;
	s1 =	sadd.s32 $0x1, s1;
	s20 =	sadd.s32 $0x80, s20  }
0x12d: {  	s8 =	sadd.s32 $0xFFFFFFFF, s8;
	_ =	sdelay $0x2  }
0x12e: {  	v6 =	vld [tilespmem:s25+$0x10]  }
0x12f: {  	v7 =	vld [tilespmem:s25+$0xFFFFFFD0]  }
0x130: {  	v8 =	vld [tilespmem:s25+$0xFFFFFFC0]  }
0x131: {  	v9 =	vld [tilespmem:s25+$0x30]  }
0x132: {  	v10 =	vld [tilespmem:s25+$0x20];
	s22 =	spop (v2sf)  }
0x133: {  	s22 =	ssub.s32 s22, s9;
	v11 =	vld [tilespmem:s25+$0xFFFFFFF0]  }
0x134: {  	v12 =	vld [tilespmem:s25+$0xFFFFFFE0];
	s22 =	sshll.u32 s22, $0x9  }
0x135: {  	v13 =	vld [tilespmem:s25+$0x0];
	s22 =	sshra.s32 s22, $0x2;
	s25 =	smov.u32 s20  }
0x136: {  	v14 =	vld [tilespmem:s22+$0x3D40]  }
0x137: {  	v15 =	vld [tilespmem:s22+$0x3D20]  }
0x138: {  	v16 =	vld [tilespmem:s22+$0x3D30]  }
0x139: {  	v17 =	vld [tilespmem:s22+$0x3D60]  }
0x13a: {  	v18 =	vld [tilespmem:s22+$0x3D70]  }
0x13b: {  	v19 =	vld [tilespmem:s22+$0x3D10];
	v13 =	vmax.f32 v14, v13  }
0x13c: {  	v14 =	vld [tilespmem:s22+$0x3D50];
	v12 =	vmax.f32 v15, v12;
	[tilespmem:s22+$0x3D40] =	vst v13  }
0x13d: {  	v13 =	vld [tilespmem:s22+$0x3D00];
	[tilespmem:s22+$0x3D20] =	vst v12;
	v11 =	vmax.f32 v16, v11  }
0x13e: {  	[tilespmem:s22+$0x3D30] =	vst v11;
	v10 =	vmax.f32 v17, v10  }
0x13f: {  	[tilespmem:s22+$0x3D60] =	vst v10;
	v9 =	vmax.f32 v18, v9  }
0x140: {  	v7 =	vmax.f32 v19, v7;
	[tilespmem:s22+$0x3D70] =	vst v9  }
0x141: {  	[tilespmem:s22+$0x3D10] =	vst v7;
	v6 =	vmax.f32 v14, v6  }
0x142: {  	v7 =	vmax.f32 v13, v8;
	[tilespmem:s22+$0x3D50] =	vst v6  }
0x143: {  	[tilespmem:s22+$0x3D00] =	vst v7  }
0x144: {  	v6 =	vld [tilespmem:s1+$0x0]  }
.Ltmp15:
0x145: {  	(pc) =	sbr.rel @p1 .LBB2_18-.Ltmp15, $2  }
0x146: {  	_ =	sdelay $0x2  }
0x147: {  	(v2sf) =	vpush v6, $0x0  }
.Ltmp16:
0x148: {  	_ = 	snop;
	(pc) =	sbr.rel .LBB2_19-.Ltmp16, $1  }
0x149: {  	_ =	sdelay $0x3  }
.LBB2_22:
.Ltmp17:
0x14a: {  	(pc) =	sbr.rel @p0 .LBB2_32-.Ltmp17, $2  }
0x14b: {  	_ =	sdelay $0x2  }
0x14c: {  	s1 =	smov.u32 s10  }
0x14d: {  	s1 =	simm.s32 $0x13000  }
0x14e: {  	[tilespmem:s1], [sflag:$0x1] =	stream.indirect.gather [hbm4b:s7+s17], $0x80, s16, s17, $0xb8;
	[tilespmem:$0x16C00] =	vst v63  }
0x14f: {  	_ =	swait.ge [sflag:s19], $0x2800  }
0x150: {  	[sflag:s19] =	ssyncset.done $0x0  }
0x151: {  	[sflag:s19] =	ssyncadd.s32 $0xFFFFD800  }
0x152: {  	v6 =	vld [tilespmem:s1+$0x0];
	_ =	sdelay $0x2  }
0x153: {  	s4 =	simm.s32 $0x40;
	s8 =	simm.s32 $0x0  }
.LBB2_24:
0x154: {  	p1 =	sne.s32 s4, $0x13C0  }
0x155: {  	[tilespmem:s8+$0x15800] =	vst v6;
	s1 =	sadd.s32 $0x80, s1;
	s8 =	smov.u32 s4;
	s4 =	sadd.s32 $0x40, s4  }
.Ltmp18:
0x156: {  	v6 =	vld [tilespmem:s1+$0x0];
	(pc) =	sbr.rel @p1 .LBB2_24-.Ltmp18, $2  }
0x157: {  	_ =	sdelay $0x2  }
0x158: {  	s8 =	sshra.s32 s8, $0x2  }
0x159: {  	[tilespmem:s8+$0x15800] =	vst v6;
	s1 =	simm.s32 $0x13000;
	s4 =	simm.s32 $0x3BD0  }
0x15a: {  	[tilespmem:s1], [sflag:$0x1] =	stream.indirect.gather [hbm4b:s7+s17], $0x80, s4, s17, $0xb8;
	[tilespmem:$0x16C00] =	vst v63  }
0x15b: {  	_ =	swait.ge [sflag:s19], $0x2800  }
0x15c: {  	[sflag:s19] =	ssyncset.done $0x0  }
0x15d: {  	[sflag:s19] =	ssyncadd.s32 $0xFFFFD800  }
0x15e: {  	v6 =	vld [tilespmem:s1+$0x0];
	_ =	sdelay $0x1  }
0x15f: {  	s31 =	simm.s32 $0x0  }
0x160: {  	s4 =	simm.s32 $0x10;
	s8 =	sand.u32 $0x7F0, s31  }
.LBB2_26:
0x161: {  	p1 =	sne.s32 s4, $0x4F0  }
0x162: {  	[tilespmem:s8+$0x15D00] =	vst v6;
	s1 =	sadd.s32 $0x80, s1;
	s8 =	smov.u32 s4;
	s4 =	sadd.s32 $0x10, s4  }
.Ltmp19:
0x163: {  	v6 =	vld [tilespmem:s1+$0x0];
	(pc) =	sbr.rel @p1 .LBB2_26-.Ltmp19, $2  }
0x164: {  	_ =	sdelay $0x2  }
0x165: {  	s8 =	sand.u32 $0x7F0, s8  }
0x166: {  	[tilespmem:s8+$0x15D00] =	vst v6;
	s1 =	simm.s32 $0x13000;
	s4 =	simm.s32 $0x3C20  }
0x167: {  	[tilespmem:s1], [sflag:$0x1] =	stream.indirect.gather [hbm4b:s7+s17], $0x80, s4, s17, $0xb8;
	[tilespmem:$0x16C00] =	vst v63  }
0x168: {  	_ =	swait.ge [sflag:s19], $0x2800  }
0x169: {  	[sflag:s19] =	ssyncset.done $0x0  }
0x16a: {  	[sflag:s19] =	ssyncadd.s32 $0xFFFFD800  }
0x16b: {  	v6 =	vld [tilespmem:s1+$0x0];
	_ =	sdelay $0x1  }
0x16c: {  	s31 =	simm.s32 $0x0  }
0x16d: {  	s4 =	simm.s32 $0x10;
	s8 =	sand.u32 $0x7F0, s31  }
.LBB2_28:
0x16e: {  	p1 =	sne.s32 s4, $0x4F0  }
0x16f: {  	[tilespmem:s8+$0x16200] =	vst v6;
	s1 =	sadd.s32 $0x80, s1;
	s8 =	smov.u32 s4;
	s4 =	sadd.s32 $0x10, s4  }
.Ltmp20:
0x170: {  	v6 =	vld [tilespmem:s1+$0x0];
	(pc) =	sbr.rel @p1 .LBB2_28-.Ltmp20, $2  }
0x171: {  	_ =	sdelay $0x2  }
0x172: {  	s8 =	sand.u32 $0x7F0, s8  }
0x173: {  	[tilespmem:s8+$0x16200] =	vst v6;
	s1 =	simm.s32 $0x13000  }
0x174: {  	[tilespmem:s1], [sflag:$0x1] =	stream.indirect.gather [hbm4b:s7+s17], $0x80, s24, s17, $0xb8;
	[tilespmem:$0x16C00] =	vst v63  }
0x175: {  	_ =	swait.ge [sflag:s19], $0x2800  }
0x176: {  	[sflag:s19] =	ssyncset.done $0x0  }
0x177: {  	[sflag:s19] =	ssyncadd.s32 $0xFFFFD800  }
0x178: {  	v6 =	vld [tilespmem:s1+$0x0];
	_ =	sdelay $0x1  }
0x179: {  	s31 =	simm.s32 $0x0  }
0x17a: {  	s4 =	simm.s32 $0x10;
	s8 =	sand.u32 $0x7F0, s31  }
.LBB2_30:
0x17b: {  	p1 =	sne.s32 s4, $0x4F0  }
0x17c: {  	[tilespmem:s8+$0x16700] =	vst v6;
	s1 =	sadd.s32 $0x80, s1;
	s8 =	smov.u32 s4;
	s4 =	sadd.s32 $0x10, s4  }
.Ltmp21:
0x17d: {  	v6 =	vld [tilespmem:s1+$0x0];
	(pc) =	sbr.rel @p1 .LBB2_30-.Ltmp21, $2  }
0x17e: {  	_ =	sdelay $0x2  }
0x17f: {  	s8 =	sand.u32 $0x7F0, s8  }
.Ltmp22:
0x180: {  	[tilespmem:s8+$0x16700] =	vst v6;
	s1 =	rddreg [dreg:$0x5];
	s4 =	simm.s32 $0x15800;
	(pc) =	sbr.rel .LBB2_32-.Ltmp22, $4  }
0x181: {  	[hbm4b:s1+s3] =	stream.linear.scatter [tilespmem:s4], [sflag:$0x2], $0x1400, $0x38;
	[tilespmem:$0x16C00] =	vst v63  }
0x182: {  	_ =	swait.ge [sflag:s15], $0x1400  }
0x183: {  	[sflag:s15] =	ssyncset.done $0x0  }
0x184: {  	s1 =	rddreg [dreg:$0x4];
	[sflag:s15] =	ssyncadd.s32 $0xFFFFEC00  }
.LBB2_33:
0x185: {  	_ =	sfence.sel $0x180000  }
0x186: {  	[bflag:$0x0] =	sbarrier.arrive $0xFFFF  }
0x187: {  	_ =	strace $0x90000047  }
0x188: {  	s0 =	stileid.u32;
	[bflag:$0x2] =	sbarrier.arrive $0xFFFF  }
0x189: {  	p0 =	sne.s32 s0, $0x0;
	s0 =	rddreg [dreg:$0x3]  }
0x18a: {  	s0 =	sadd.s32 @!p0 $0x100000, s0  }
0x18b: {  	[sflag:s0] =	ssyncadd.tile.s32 @!p0 $0x1;
	_ =	shalt  }
.Lfunc_end2:
_tile_overlayer_lowered:
.L_overlay_start_2:
0x18c: {  	(tag) =	ssettag $0x2  }
0x18d: {  	s0 =	rddreg [dreg:$0x0];
	s2 =	stileid.u32  }
0x18e: {  	s1 =	rddreg [dreg:$0x1];
	p0 =	sne.s32 s2, $0x0  }
0x18f: {  	s3 =	rddreg [dreg:$0x2];
	[bflag:$0x3] =	sbarrier.arrive $0xFFFF;
	s2 =	simm.s32 @!p0 $0x1C02  }
0x190: {  	[timem:s3], [sflag:s2] =	dma.local @!p0 [hbm:s0], s1  }
0x191: {  	s0 =	simm.s32 @!p0 $0x2  }
0x192: {  	_ =	swait.ge @!p0 [sflag:s0], s1  }
0x193: {  	s1 =	ssub.s32 @!p0 $0x0, s1;
	[sflag:s0] =	ssyncset.done @!p0 $0x0  }
0x194: {  	[sflag:s0] =	ssyncadd.s32 @!p0 s1  }
0x195: {  	[bflag:$0x3] =	sbarrier.arrive $0xFFFF  }
0x196: {  	_ =	shalt  }

</sc_bundles>
